<compile_context>
chip_gen: v7x
topology: tpu7x:2x2x1
jax: 0.10.2.dev20260603
libtpu: 0.0.44.dev20260713+nightly
codegen_flags: <defaults>
</compile_context>

<pallas_src>
import functools

import jax
import jax.numpy as jnp
from jax import lax
from jax.experimental import pallas as pl
from jax.experimental.pallas import tpu as pltpu
from jax.experimental.pallas import tpu_sc as plsc

_A = 8
_OBS = 128
_NACT = 14
_NACTP = 16
_HID = 128
_B = 4096

_SPLIT = 3072
_SCB = _B - _SPLIT
_TCBLK = 1024

_NW = 32
_GPW = _SCB // _NW
_CH = 32
_NCH = _GPW // _CH
_LANES = 16


@functools.partial(
    pl.kernel,
    mesh=plsc.VectorSubcoreMesh(core_axis_name="c", subcore_axis_name="s"),
    out_type=jax.ShapeDtypeStruct((_SCB, _OBS), jnp.float32),
    scratch_types=[
        pltpu.VMEM((2, _CH, _A, _OBS), jnp.float32),
        pltpu.VMEM((2, _CH, _OBS), jnp.float32),
        pltpu.SemaphoreType.DMA,
        pltpu.SemaphoreType.DMA,
        pltpu.SemaphoreType.DMA,
        pltpu.SemaphoreType.DMA,
    ],
)
def _sc_agent_sum(obs_hbm, out_hbm, buf, acc, si0, si1, so0, so1):
    wid = lax.axis_index("s") * 2 + lax.axis_index("c")
    base = wid * _GPW
    sin = (si0, si1)
    sout = (so0, so1)

    def start_in(ci, cur):
        g0 = _SPLIT + base + ci * _CH
        return pltpu.async_copy(obs_hbm.at[pl.ds(g0, _CH)], buf.at[cur],
                                sin[cur])

    h_in = {0: start_in(0, 0), 1: None}
    h_out = {}
    for ci in range(_NCH):
        cur = ci & 1
        if ci + 1 < _NCH:
            h_in[1 - cur] = start_in(ci + 1, 1 - cur)
        h_in[cur].wait()
        if ci >= 2:
            h_out[cur].wait()

        def graph_body(g, c2):
            for c in range(_OBS // _LANES):
                s = buf[cur, g, 0, pl.ds(c * _LANES, _LANES)]
                for a in range(1, _A):
                    s = s + buf[cur, g, a, pl.ds(c * _LANES, _LANES)]
                acc[cur, g, pl.ds(c * _LANES, _LANES)] = s
            return c2

        lax.fori_loop(0, _CH, graph_body, 0)
        g0 = base + ci * _CH
        h_out[cur] = pltpu.async_copy(acc.at[cur], out_hbm.at[pl.ds(g0, _CH)],
                                      sout[cur])
    for h in h_out.values():
        h.wait()


def _onehot(acts, blk):
    lane = jax.lax.broadcasted_iota(jnp.int32, (blk, _A * _NACTP), 1)
    spread = jnp.take_along_axis(acts, lane // _NACTP, axis=1)
    return (lane % _NACTP == spread).astype(jnp.float32)


def _dense_tail(obsmean, oh, w1o, w1a, c1, w2, b2, w3, b3):
    h1 = (jnp.dot(obsmean, w1o, preferred_element_type=jnp.float32)
          + jnp.dot(oh, w1a, preferred_element_type=jnp.float32) + c1)
    h1 = jnp.maximum(h1, 0.0)
    h2 = jnp.maximum(jnp.dot(h1, w2, preferred_element_type=jnp.float32) + b2,
                     0.0)
    return jnp.dot(h2, w3, preferred_element_type=jnp.float32) + b3


def _fused_body(obs_ref, act_ref, w1o_ref, w1a_ref, c1_ref, w2_ref, b2_ref,
                w3_ref, b3_ref, out_ref):
    obsmean = jnp.sum(obs_ref[...], axis=1)
    oh = _onehot(act_ref[...], _TCBLK)
    out_ref[...] = _dense_tail(obsmean, oh, w1o_ref[...], w1a_ref[...],
                               c1_ref[...], w2_ref[...], b2_ref[...],
                               w3_ref[...], b3_ref[...])


def _presummed_body(om_ref, act_ref, w1o_ref, w1a_ref, c1_ref, w2_ref, b2_ref,
                    w3_ref, b3_ref, out_ref):
    oh = _onehot(act_ref[...], _SCB)
    out_ref[...] = _dense_tail(om_ref[...], oh, w1o_ref[...], w1a_ref[...],
                               c1_ref[...], w2_ref[...], b2_ref[...],
                               w3_ref[...], b3_ref[...])


def kernel(obs, actions, edge_index, W1, b1, W2, b2, W3, b3):
    B_, A_, OBS_ = obs.shape
    del edge_index
    W1o = W1[:OBS_] * (1.0 / A_)
    W1a = W1[OBS_:OBS_ + A_ * _NACT].reshape(A_, _NACT, _HID)
    W1a = jnp.pad(W1a, ((0, 0), (0, _NACTP - _NACT), (0, 0)))
    W1a = W1a.reshape(A_ * _NACTP, _HID)
    c1 = (b1 + W1[OBS_ + A_ * _NACT:].sum(axis=0) * (1.0 / A_)).reshape(1, _HID)
    b2r = b2.reshape(1, _HID)
    W3b = jnp.broadcast_to(W3, (_HID, A_))
    b3r = jnp.broadcast_to(b3.reshape(1, 1), (1, A_))
    wspecs = [
        pl.BlockSpec((OBS_, _HID), lambda i: (0, 0)),
        pl.BlockSpec((A_ * _NACTP, _HID), lambda i: (0, 0)),
        pl.BlockSpec((1, _HID), lambda i: (0, 0)),
        pl.BlockSpec((_HID, _HID), lambda i: (0, 0)),
        pl.BlockSpec((1, _HID), lambda i: (0, 0)),
        pl.BlockSpec((_HID, A_), lambda i: (0, 0)),
        pl.BlockSpec((1, A_), lambda i: (0, 0)),
    ]
    weights = (W1o, W1a, c1, W2, b2r, W3b, b3r)

    obsum = _sc_agent_sum(obs)

    q_tc = pl.pallas_call(
        _fused_body,
        grid=(_SPLIT // _TCBLK,),
        in_specs=[
            pl.BlockSpec((_TCBLK, A_, OBS_), lambda i: (i, 0, 0)),
            pl.BlockSpec((_TCBLK, A_), lambda i: (i, 0)),
        ] + wspecs,
        out_specs=pl.BlockSpec((_TCBLK, A_), lambda i: (i, 0)),
        out_shape=jax.ShapeDtypeStruct((_SPLIT, A_), jnp.float32),
    )(obs, actions, *weights)

    nsb = _SPLIT // _SCB
    q_sc = pl.pallas_call(
        _presummed_body,
        grid=(1,),
        in_specs=[
            pl.BlockSpec((_SCB, OBS_), lambda i: (0, 0)),
            pl.BlockSpec((_SCB, A_), lambda i: (nsb, 0)),
        ] + wspecs,
        out_specs=pl.BlockSpec((_SCB, A_), lambda i: (0, 0)),
        out_shape=jax.ShapeDtypeStruct((_SCB, A_), jnp.float32),
    )(obsum, actions, *weights)

    return jnp.concatenate([q_tc, q_sc], axis=0).reshape(B_, A_, 1)

# --- scband reference (transcript-rebuilt; emitter-appended) ---
"""Pipeline reference for scband-acgcncritic-44229573214750 (READ-ONLY COPY).

The authoritative reference and input builder live on the scoring server;
editing this copy changes nothing except your own understanding.
"""

import jax, jax.numpy as jnp
import numpy as np

B = 4096      # bs * max_t (batched timesteps)
A = 8         # n_agents
OBS = 128     # per-agent obs dim
NACT = 14     # n_actions
HID = 128     # hidden_dim
D = OBS + NACT * A + A  # 248 = input_shape (obs + joint action onehot + agent id)
N = B * A


def _build_edge_index():
    # Dense (complete, with self-loops) connectivity among agents within each graph.
    g = jnp.arange(B, dtype=jnp.int32) * A            # graph node offsets
    pair_src = jnp.repeat(jnp.arange(A, dtype=jnp.int32), A)  # [A*A]
    pair_dst = jnp.tile(jnp.arange(A, dtype=jnp.int32), A)    # [A*A]
    src = (g[:, None] + pair_src[None, :]).reshape(-1)
    dst = (g[:, None] + pair_dst[None, :]).reshape(-1)
    return jnp.stack([src, dst], axis=0)              # [2, B*A*A]


def setup_inputs(seed: int = 0) -> dict:
    key = jax.random.key(seed)
    k1, k2, k3, k4, k5 = jax.random.split(key, 5)
    obs = jax.random.normal(k1, (B, A, OBS), dtype=jnp.float32)
    actions = jax.random.randint(k2, (B, A), 0, NACT)
    edge_index = _build_edge_index()
    # Learned parameters of the GraphNet critic (2 GCN layers + per-agent q head)
    W1 = jax.random.normal(k3, (D, HID), dtype=jnp.float32) * 0.05
    b1 = jnp.zeros((HID,), dtype=jnp.float32)
    W2 = jax.random.normal(k4, (HID, HID), dtype=jnp.float32) * 0.05
    b2 = jnp.zeros((HID,), dtype=jnp.float32)
    W3 = jax.random.normal(k5, (HID, 1), dtype=jnp.float32) * 0.05
    b3 = jnp.zeros((1,), dtype=jnp.float32)
    return {"obs": obs, "actions": actions, "edge_index": edge_index,
            "W1": W1, "b1": b1, "W2": W2, "b2": b2, "W3": W3, "b3": b3}


def reference(obs, actions, edge_index, W1, b1, W2, b2, W3, b3):
    B_, A_, _ = obs.shape
    n = B_ * A_
    # _build_inputs: per-agent obs || joint actions_onehot (all agents) || agent id onehot
    onehot = jax.nn.one_hot(actions, NACT, dtype=obs.dtype)          # [B, A, NACT]
    acts_all = jnp.broadcast_to(onehot.reshape(B_, 1, A_ * NACT),
                                (B_, A_, A_ * NACT))                 # [B, A, A*NACT]
    ids = jnp.broadcast_to(jnp.eye(A_, dtype=obs.dtype)[None],
                           (B_, A_, A_))                             # [B, A, A]
    x = jnp.concatenate([obs, acts_all, ids], axis=-1).reshape(n, -1)  # [N, D]
    src = edge_index[0]
    dst = edge_index[1]
    deg = jnp.asarray(A_, dtype=x.dtype)
    # GCN layer 1: mean-aggregate neighbor features (gather + scatter-add), then linear+relu
    agg1 = jax.ops.segment_sum(x[src], dst, num_segments=n) / deg
    h1 = jax.nn.relu(agg1 @ W1 + b1)
    # GCN layer 2
    agg2 = jax.ops.segment_sum(h1[src], dst, num_segments=n) / deg
    h2 = jax.nn.relu(agg2 @ W2 + b2)
    # per-agent q head (output dim 1)
    q = h2 @ W3 + b3
    return q.reshape(B_, A_, 1)

if __name__ == "__main__":
    import jax
    _d = setup_inputs()
    print(jax.jit(kernel)(*tuple(_d.values())))

</pallas_src>

<mosaic_0001>
#map = affine_map<(d0, d1) -> (0, 0, 0)>
#map1 = affine_map<(d0, d1) -> (0, 0)>
module attributes {stable_mosaic.version = 14 : i64} {
  func.func @_sc_agent_sum(%arg0: i32, %arg1: i32, %arg2: memref<4096x8x128xf32, #tpu.memory_space<hbm>>, %arg3: memref<1024x128xf32, #tpu.memory_space<hbm>>, %arg4: memref<2x32x8x128xf32, #tpu.memory_space<vmem>>, %arg5: memref<2x32x128xf32, #tpu.memory_space<vmem>>, %arg6: memref<!tpu.dma_semaphore, #tpu.memory_space<semaphore_mem>>, %arg7: memref<!tpu.dma_semaphore, #tpu.memory_space<semaphore_mem>>, %arg8: memref<!tpu.dma_semaphore, #tpu.memory_space<semaphore_mem>>, %arg9: memref<!tpu.dma_semaphore, #tpu.memory_space<semaphore_mem>>) attributes {dimension_semantics = [#tpu.dimension_semantics<core_parallel>, #tpu.dimension_semantics<subcore_parallel>], iteration_bounds = array<i64: 2, 16>, scalar_prefetch = 0 : i64, scratch_operands = 6 : i64, tpu.core_type = #tpu.core_type<sc_vector_subcore>, window_params = [{transform_indices = #map}, {transform_indices = #map1}]} {
    %mul3A = arith.constant 2 : i32
    %mul3A_0 = arith.muli %arg1, %mul3A : i32
    %add3A = arith.addi %mul3A_0, %arg0 : i32
    %mul3A_1 = arith.constant 32 : i32
    %mul3A_2 = arith.muli %add3A, %mul3A_1 : i32
    %add3A_3 = arith.constant 3072 : i32
    %add3A_4 = arith.addi %add3A_3, %mul3A_2 : i32
    %add3A_5 = arith.constant 0 : i32
    %add3A_6 = arith.addi %add3A_4, %add3A_5 : i32
    %dma_start3A = arith.constant 0 : i32
    %dma_start3A_7 = arith.constant 0 : i32
    %dma_start3A_8 = arith.constant 0 : i32
    %dma_start3A_9 = arith.constant 0 : i32
    %dma_start3A_10 = tpu.memref_slice %arg4[%dma_start3A, %dma_start3A_7, %dma_start3A_8, %dma_start3A_9] : memref<2x32x8x128xf32, #tpu.memory_space<vmem>> -> memref<1x32x8x128xf32, #tpu.memory_space<vmem>>
    %dma_start3A_11 = tpu.memref_squeeze %dma_start3A_10 : memref<1x32x8x128xf32, #tpu.memory_space<vmem>> -> memref<32x8x128xf32, #tpu.memory_space<vmem>>
    %dma_start3A_12 = arith.constant 0 : i32
    %dma_start3A_13 = arith.constant 0 : i32
    %dma_start3A_14 = tpu.memref_slice %arg2[%add3A_6, %dma_start3A_12, %dma_start3A_13] : memref<4096x8x128xf32, #tpu.memory_space<hbm>> -> memref<32x8x128xf32, #tpu.memory_space<hbm>>
    %dma_start3A_15 = arith.constant 0 : i32
    %dma_start3A_16 = arith.constant 0 : i32
    %dma_start3A_17 = arith.constant 0 : i32
    %dma_start3A_18 = tpu.memref_slice %arg4[%dma_start3A, %dma_start3A_15, %dma_start3A_16, %dma_start3A_17] : memref<2x32x8x128xf32, #tpu.memory_space<vmem>> -> memref<1x32x8x128xf32, #tpu.memory_space<vmem>>
    %dma_start3A_19 = tpu.memref_squeeze %dma_start3A_18 : memref<1x32x8x128xf32, #tpu.memory_space<vmem>> -> memref<32x8x128xf32, #tpu.memory_space<vmem>>
    %dma_start3A_20 = arith.constant 0 : i32
    %dma_start3A_21 = arith.constant 0 : i32
    %dma_start3A_22 = tpu.memref_slice %arg2[%add3A_6, %dma_start3A_20, %dma_start3A_21] : memref<4096x8x128xf32, #tpu.memory_space<hbm>> -> memref<32x8x128xf32, #tpu.memory_space<hbm>>
    tpu.enqueue_dma source(%dma_start3A_22 : memref<32x8x128xf32, #tpu.memory_space<hbm>>) target(%dma_start3A_19 : memref<32x8x128xf32, #tpu.memory_space<vmem>>) target_semaphore(%arg6 : memref<!tpu.dma_semaphore, #tpu.memory_space<semaphore_mem>>)
    %dma_wait3A = arith.constant 0 : i32
    %dma_wait3A_23 = arith.constant 0 : i32
    %dma_wait3A_24 = arith.constant 0 : i32
    %dma_wait3A_25 = arith.constant 0 : i32
    %dma_wait3A_26 = tpu.memref_slice %arg4[%dma_wait3A, %dma_wait3A_23, %dma_wait3A_24, %dma_wait3A_25] : memref<2x32x8x128xf32, #tpu.memory_space<vmem>> -> memref<1x32x8x128xf32, #tpu.memory_space<vmem>>
    %dma_wait3A_27 = tpu.memref_squeeze %dma_wait3A_26 : memref<1x32x8x128xf32, #tpu.memory_space<vmem>> -> memref<32x8x128xf32, #tpu.memory_space<vmem>>
    %dma_wait3A_28 = arith.constant 0 : i32
    %dma_wait3A_29 = arith.constant 0 : i32
    %dma_wait3A_30 = tpu.memref_slice %arg2[%add3A_6, %dma_wait3A_28, %dma_wait3A_29] : memref<4096x8x128xf32, #tpu.memory_space<hbm>> -> memref<32x8x128xf32, #tpu.memory_space<hbm>>
    %dma_wait3A_31 = arith.constant 0 : i32
    %dma_wait3A_32 = arith.constant 0 : i32
    %dma_wait3A_33 = arith.constant 0 : i32
    %dma_wait3A_34 = tpu.memref_slice %arg4[%dma_wait3A, %dma_wait3A_31, %dma_wait3A_32, %dma_wait3A_33] : memref<2x32x8x128xf32, #tpu.memory_space<vmem>> -> memref<1x32x8x128xf32, #tpu.memory_space<vmem>>
    %dma_wait3A_35 = tpu.memref_squeeze %dma_wait3A_34 : memref<1x32x8x128xf32, #tpu.memory_space<vmem>> -> memref<32x8x128xf32, #tpu.memory_space<vmem>>
    %dma_wait3A_36 = arith.constant 0 : i32
    %dma_wait3A_37 = arith.constant 0 : i32
    %dma_wait3A_38 = tpu.memref_slice %arg2[%add3A_6, %dma_wait3A_36, %dma_wait3A_37] : memref<4096x8x128xf32, #tpu.memory_space<hbm>> -> memref<32x8x128xf32, #tpu.memory_space<hbm>>
    tpu.wait_dma2 semaphore(%arg6 : memref<!tpu.dma_semaphore, #tpu.memory_space<semaphore_mem>>) src(%dma_wait3A_38 : memref<32x8x128xf32, #tpu.memory_space<hbm>>) dst(%dma_wait3A_35 : memref<32x8x128xf32, #tpu.memory_space<vmem>>)
    %scan3A = arith.constant 0 : i32
    %scan3A_39 = arith.constant 0 : i32
    %scan3A_40 = arith.constant 32 : i32
    %scan3A_41 = arith.addi %scan3A_39, %scan3A_40 : i32
    %scan3A_42 = arith.constant 1 : i32
    scf.for %scan3A_72 = %scan3A_39 to %scan3A_41 step %scan3A_42  : i32 {
      %get3A = arith.constant 0 : i32
      %get3A_73 = arith.constant 0 : i32
      %get3A_74 = arith.index_cast %get3A : i32 to index
      %get3A_75 = arith.index_cast %scan3A_72 : i32 to index
      %get3A_76 = arith.index_cast %get3A_73 : i32 to index
      %get3A_77 = arith.constant 0 : index
      %get3A_78 = tpu.vector_load %arg4[%get3A_74, %get3A_75, %get3A_76, %get3A_77] {strides = array<i32>} : memref<2x32x8x128xf32, #tpu.memory_space<vmem>>, vector<1x1x1x16xf32>,
      %get3A_79 = vector.shape_cast %get3A_78 : vector<1x1x1x16xf32> to vector<16xf32>
      %get3A_80 = arith.constant 0 : i32
      %get3A_81 = arith.constant 1 : i32
      %get3A_82 = arith.index_cast %get3A_80 : i32 to index
      %get3A_83 = arith.index_cast %scan3A_72 : i32 to index
      %get3A_84 = arith.index_cast %get3A_81 : i32 to index
      %get3A_85 = arith.constant 0 : index
      %get3A_86 = tpu.vector_load %arg4[%get3A_82, %get3A_83, %get3A_84, %get3A_85] {strides = array<i32>} : memref<2x32x8x128xf32, #tpu.memory_space<vmem>>, vector<1x1x1x16xf32>,
      %get3A_87 = vector.shape_cast %get3A_86 : vector<1x1x1x16xf32> to vector<16xf32>
      %add3A_88 = arith.addf %get3A_79, %get3A_87 : vector<16xf32>
      %get3A_89 = arith.constant 0 : i32
      %get3A_90 = arith.constant 2 : i32
      %get3A_91 = arith.index_cast %get3A_89 : i32 to index
      %get3A_92 = arith.index_cast %scan3A_72 : i32 to index
      %get3A_93 = arith.index_cast %get3A_90 : i32 to index
      %get3A_94 = arith.constant 0 : index
      %get3A_95 = tpu.vector_load %arg4[%get3A_91, %get3A_92, %get3A_93, %get3A_94] {strides = array<i32>} : memref<2x32x8x128xf32, #tpu.memory_space<vmem>>, vector<1x1x1x16xf32>,
      %get3A_96 = vector.shape_cast %get3A_95 : vector<1x1x1x16xf32> to vector<16xf32>
      %add3A_97 = arith.addf %add3A_88, %get3A_96 : vector<16xf32>
      %get3A_98 = arith.constant 0 : i32
      %get3A_99 = arith.constant 3 : i32
      %get3A_100 = arith.index_cast %get3A_98 : i32 to index
      %get3A_101 = arith.index_cast %scan3A_72 : i32 to index
      %get3A_102 = arith.index_cast %get3A_99 : i32 to index
      %get3A_103 = arith.constant 0 : index
      %get3A_104 = tpu.vector_load %arg4[%get3A_100, %get3A_101, %get3A_102, %get3A_103] {strides = array<i32>} : memref<2x32x8x128xf32, #tpu.memory_space<vmem>>, vector<1x1x1x16xf32>,
      %get3A_105 = vector.shape_cast %get3A_104 : vector<1x1x1x16xf32> to vector<16xf32>
      %add3A_106 = arith.addf %add3A_97, %get3A_105 : vector<16xf32>
      %get3A_107 = arith.constant 0 : i32
      %get3A_108 = arith.constant 4 : i32
      %get3A_109 = arith.index_cast %get3A_107 : i32 to index
      %get3A_110 = arith.index_cast %scan3A_72 : i32 to index
      %get3A_111 = arith.index_cast %get3A_108 : i32 to index
      %get3A_112 = arith.constant 0 : index
      %get3A_113 = tpu.vector_load %arg4[%get3A_109, %get3A_110, %get3A_111, %get3A_112] {strides = array<i32>} : memref<2x32x8x128xf32, #tpu.memory_space<vmem>>, vector<1x1x1x16xf32>,
      %get3A_114 = vector.shape_cast %get3A_113 : vector<1x1x1x16xf32> to vector<16xf32>
      %add3A_115 = arith.addf %add3A_106, %get3A_114 : vector<16xf32>
      %get3A_116 = arith.constant 0 : i32
      %get3A_117 = arith.constant 5 : i32
      %get3A_118 = arith.index_cast %get3A_116 : i32 to index
      %get3A_119 = arith.index_cast %scan3A_72 : i32 to index
      %get3A_120 = arith.index_cast %get3A_117 : i32 to index
      %get3A_121 = arith.constant 0 : index
      %get3A_122 = tpu.vector_load %arg4[%get3A_118, %get3A_119, %get3A_120, %get3A_121] {strides = array<i32>} : memref<2x32x8x128xf32, #tpu.memory_space<vmem>>, vector<1x1x1x16xf32>,
      %get3A_123 = vector.shape_cast %get3A_122 : vector<1x1x1x16xf32> to vector<16xf32>
      %add3A_124 = arith.addf %add3A_115, %get3A_123 : vector<16xf32>
      %get3A_125 = arith.constant 0 : i32
      %get3A_126 = arith.constant 6 : i32
      %get3A_127 = arith.index_cast %get3A_125 : i32 to index
      %get3A_128 = arith.index_cast %scan3A_72 : i32 to index
      %get3A_129 = arith.index_cast %get3A_126 : i32 to index
      %get3A_130 = arith.constant 0 : index
      %get3A_131 = tpu.vector_load %arg4[%get3A_127, %get3A_128, %get3A_129, %get3A_130] {strides = array<i32>} : memref<2x32x8x128xf32, #tpu.memory_space<vmem>>, vector<1x1x1x16xf32>,
      %get3A_132 = vector.shape_cast %get3A_131 : vector<1x1x1x16xf32> to vector<16xf32>
      %add3A_133 = arith.addf %add3A_124, %get3A_132 : vector<16xf32>
      %get3A_134 = arith.constant 0 : i32
      %get3A_135 = arith.constant 7 : i32
      %get3A_136 = arith.index_cast %get3A_134 : i32 to index
      %get3A_137 = arith.index_cast %scan3A_72 : i32 to index
      %get3A_138 = arith.index_cast %get3A_135 : i32 to index
      %get3A_139 = arith.constant 0 : index
      %get3A_140 = tpu.vector_load %arg4[%get3A_136, %get3A_137, %get3A_138, %get3A_139] {strides = array<i32>} : memref<2x32x8x128xf32, #tpu.memory_space<vmem>>, vector<1x1x1x16xf32>,
      %get3A_141 = vector.shape_cast %get3A_140 : vector<1x1x1x16xf32> to vector<16xf32>
      %add3A_142 = arith.addf %add3A_133, %get3A_141 : vector<16xf32>
      %swap3A = arith.constant 0 : i32
      %swap3A_143 = arith.index_cast %swap3A : i32 to index
      %swap3A_144 = arith.index_cast %scan3A_72 : i32 to index
      %swap3A_145 = arith.constant 0 : index
      %swap3A_146 = tpu.vector_load %arg5[%swap3A_143, %swap3A_144, %swap3A_145] {strides = array<i32>} : memref<2x32x128xf32, #tpu.memory_space<vmem>>, vector<1x1x16xf32>,
      %swap3A_147 = vector.shape_cast %swap3A_146 : vector<1x1x16xf32> to vector<16xf32>
      %swap3A_148 = vector.shape_cast %add3A_142 : vector<16xf32> to vector<1x1x16xf32>
      tpu.vector_store %arg5[%swap3A_143, %swap3A_144, %swap3A_145], %swap3A_148 {strides = array<i32>} : memref<2x32x128xf32, #tpu.memory_space<vmem>>, vector<1x1x16xf32>,
      %get3A_149 = arith.constant 0 : i32
      %get3A_150 = arith.constant 0 : i32
      %get3A_151 = arith.index_cast %get3A_149 : i32 to index
      %get3A_152 = arith.index_cast %scan3A_72 : i32 to index
      %get3A_153 = arith.index_cast %get3A_150 : i32 to index
      %get3A_154 = arith.constant 16 : index
      %get3A_155 = tpu.vector_load %arg4[%get3A_151, %get3A_152, %get3A_153, %get3A_154] {strides = array<i32>} : memref<2x32x8x128xf32, #tpu.memory_space<vmem>>, vector<1x1x1x16xf32>,
      %get3A_156 = vector.shape_cast %get3A_155 : vector<1x1x1x16xf32> to vector<16xf32>
      %get3A_157 = arith.constant 0 : i32
      %get3A_158 = arith.constant 1 : i32
      %get3A_159 = arith.index_cast %get3A_157 : i32 to index
      %get3A_160 = arith.index_cast %scan3A_72 : i32 to index
      %get3A_161 = arith.index_cast %get3A_158 : i32 to index
      %get3A_162 = arith.constant 16 : index
      %get3A_163 = tpu.vector_load %arg4[%get3A_159, %get3A_160, %get3A_161, %get3A_162] {strides = array<i32>} : memref<2x32x8x128xf32, #tpu.memory_space<vmem>>, vector<1x1x1x16xf32>,
      %get3A_164 = vector.shape_cast %get3A_163 : vector<1x1x1x16xf32> to vector<16xf32>
      %add3A_165 = arith.addf %get3A_156, %get3A_164 : vector<16xf32>
      %get3A_166 = arith.constant 0 : i32
      %get3A_167 = arith.constant 2 : i32
      %get3A_168 = arith.index_cast %get3A_166 : i32 to index
      %get3A_169 = arith.index_cast %scan3A_72 : i32 to index
      %get3A_170 = arith.index_cast %get3A_167 : i32 to index
      %get3A_171 = arith.constant 16 : index
      %get3A_172 = tpu.vector_load %arg4[%get3A_168, %get3A_169, %get3A_170, %get3A_171] {strides = array<i32>} : memref<2x32x8x128xf32, #tpu.memory_space<vmem>>, vector<1x1x1x16xf32>,
      %get3A_173 = vector.shape_cast %get3A_172 : vector<1x1x1x16xf32> to vector<16xf32>
      %add3A_174 = arith.addf %add3A_165, %get3A_173 : vector<16xf32>
      %get3A_175 = arith.constant 0 : i32
      %get3A_176 = arith.constant 3 : i32
      %get3A_177 = arith.index_cast %get3A_175 : i32 to index
      %get3A_178 = arith.index_cast %scan3A_72 : i32 to index
      %get3A_179 = arith.index_cast %get3A_176 : i32 to index
      %get3A_180 = arith.constant 16 : index
      %get3A_181 = tpu.vector_load %arg4[%get3A_177, %get3A_178, %get3A_179, %get3A_180] {strides = array<i32>} : memref<2x32x8x128xf32, #tpu.memory_space<vmem>>, vector<1x1x1x16xf32>,
      %get3A_182 = vector.shape_cast %get3A_181 : vector<1x1x1x16xf32> to vector<16xf32>
      %add3A_183 = arith.addf %add3A_174, %get3A_182 : vector<16xf32>
      %get3A_184 = arith.constant 0 : i32
      %get3A_185 = arith.constant 4 : i32
      %get3A_186 = arith.index_cast %get3A_184 : i32 to index
      %get3A_187 = arith.index_cast %scan3A_72 : i32 to index
      %get3A_188 = arith.index_cast %get3A_185 : i32 to index
      %get3A_189 = arith.constant 16 : index
      %get3A_190 = tpu.vector_load %arg4[%get3A_186, %get3A_187, %get3A_188, %get3A_189] {strides = array<i32>} : memref<2x32x8x128xf32, #tpu.memory_space<vmem>>, vector<1x1x1x16xf32>,
      %get3A_191 = vector.shape_cast %get3A_190 : vector<1x1x1x16xf32> to vector<16xf32>
      %add3A_192 = arith.addf %add3A_183, %get3A_191 : vector<16xf32>
      %get3A_193 = arith.constant 0 : i32
      %get3A_194 = arith.constant 5 : i32
      %get3A_195 = arith.index_cast %get3A_193 : i32 to index
      %get3A_196 = arith.index_cast %scan3A_72 : i32 to index
      %get3A_197 = arith.index_cast %get3A_194 : i32 to index
      %get3A_198 = arith.constant 16 : index
      %get3A_199 = tpu.vector_load %arg4[%get3A_195, %get3A_196, %get3A_197, %get3A_198] {strides = array<i32>} : memref<2x32x8x128xf32, #tpu.memory_space<vmem>>, vector<1x1x1x16xf32>,
      %get3A_200 = vector.shape_cast %get3A_199 : vector<1x1x1x16xf32> to vector<16xf32>
      %add3A_201 = arith.addf %add3A_192, %get3A_200 : vector<16xf32>
      %get3A_202 = arith.constant 0 : i32
      %get3A_203 = arith.constant 6 : i32
      %get3A_204 = arith.index_cast %get3A_202 : i32 to index
      %get3A_205 = arith.index_cast %scan3A_72 : i32 to index
      %get3A_206 = arith.index_cast %get3A_203 : i32 to index
      %get3A_207 = arith.constant 16 : index
      %get3A_208 = tpu.vector_load %arg4[%get3A_204, %get3A_205, %get3A_206, %get3A_207] {strides = array<i32>} : memref<2x32x8x128xf32, #tpu.memory_space<vmem>>, vector<1x1x1x16xf32>,
      %get3A_209 = vector.shape_cast %get3A_208 : vector<1x1x1x16xf32> to vector<16xf32>
      %add3A_210 = arith.addf %add3A_201, %get3A_209 : vector<16xf32>
      %get3A_211 = arith.constant 0 : i32
      %get3A_212 = arith.constant 7 : i32
      %get3A_213 = arith.index_cast %get3A_211 : i32 to index
      %get3A_214 = arith.index_cast %scan3A_72 : i32 to index
      %get3A_215 = arith.index_cast %get3A_212 : i32 to index
      %get3A_216 = arith.constant 16 : index
      %get3A_217 = tpu.vector_load %arg4[%get3A_213, %get3A_214, %get3A_215, %get3A_216] {strides = array<i32>} : memref<2x32x8x128xf32, #tpu.memory_space<vmem>>, vector<1x1x1x16xf32>,
      %get3A_218 = vector.shape_cast %get3A_217 : vector<1x1x1x16xf32> to vector<16xf32>
      %add3A_219 = arith.addf %add3A_210, %get3A_218 : vector<16xf32>
      %swap3A_220 = arith.constant 0 : i32
      %swap3A_221 = arith.index_cast %swap3A_220 : i32 to index
      %swap3A_222 = arith.index_cast %scan3A_72 : i32 to index
      %swap3A_223 = arith.constant 16 : index
      %swap3A_224 = tpu.vector_load %arg5[%swap3A_221, %swap3A_222, %swap3A_223] {strides = array<i32>} : memref<2x32x128xf32, #tpu.memory_space<vmem>>, vector<1x1x16xf32>,
      %swap3A_225 = vector.shape_cast %swap3A_224 : vector<1x1x16xf32> to vector<16xf32>
      %swap3A_226 = vector.shape_cast %add3A_219 : vector<16xf32> to vector<1x1x16xf32>
      tpu.vector_store %arg5[%swap3A_221, %swap3A_222, %swap3A_223], %swap3A_226 {strides = array<i32>} : memref<2x32x128xf32, #tpu.memory_space<vmem>>, vector<1x1x16xf32>,
      %get3A_227 = arith.constant 0 : i32
      %get3A_228 = arith.constant 0 : i32
      %get3A_229 = arith.index_cast %get3A_227 : i32 to index
      %get3A_230 = arith.index_cast %scan3A_72 : i32 to index
      %get3A_231 = arith.index_cast %get3A_228 : i32 to index
      %get3A_232 = arith.constant 32 : index
      %get3A_233 = tpu.vector_load %arg4[%get3A_229, %get3A_230, %get3A_231, %get3A_232] {strides = array<i32>} : memref<2x32x8x128xf32, #tpu.memory_space<vmem>>, vector<1x1x1x16xf32>,
      %get3A_234 = vector.shape_cast %get3A_233 : vector<1x1x1x16xf32> to vector<16xf32>
      %get3A_235 = arith.constant 0 : i32
      %get3A_236 = arith.constant 1 : i32
      %get3A_237 = arith.index_cast %get3A_235 : i32 to index
      %get3A_238 = arith.index_cast %scan3A_72 : i32 to index
      %get3A_239 = arith.index_cast %get3A_236 : i32 to index
      %get3A_240 = arith.constant 32 : index
      %get3A_241 = tpu.vector_load %arg4[%get3A_237, %get3A_238, %get3A_239, %get3A_240] {strides = array<i32>} : memref<2x32x8x128xf32, #tpu.memory_space<vmem>>, vector<1x1x1x16xf32>,
      %get3A_242 = vector.shape_cast %get3A_241 : vector<1x1x1x16xf32> to vector<16xf32>
      %add3A_243 = arith.addf %get3A_234, %get3A_242 : vector<16xf32>
      %get3A_244 = arith.constant 0 : i32
      %get3A_245 = arith.constant 2 : i32
      %get3A_246 = arith.index_cast %get3A_244 : i32 to index
      %get3A_247 = arith.index_cast %scan3A_72 : i32 to index
      %get3A_248 = arith.index_cast %get3A_245 : i32 to index
      %get3A_249 = arith.constant 32 : index
      %get3A_250 = tpu.vector_load %arg4[%get3A_246, %get3A_247, %get3A_248, %get3A_249] {strides = array<i32>} : memref<2x32x8x128xf32, #tpu.memory_space<vmem>>, vector<1x1x1x16xf32>,
      %get3A_251 = vector.shape_cast %get3A_250 : vector<1x1x1x16xf32> to vector<16xf32>
      %add3A_252 = arith.addf %add3A_243, %get3A_251 : vector<16xf32>
      %get3A_253 = arith.constant 0 : i32
      %get3A_254 = arith.constant 3 : i32
      %get3A_255 = arith.index_cast %get3A_253 : i32 to index
      %get3A_256 = arith.index_cast %scan3A_72 : i32 to index
      %get3A_257 = arith.index_cast %get3A_254 : i32 to index
      %get3A_258 = arith.constant 32 : index
      %get3A_259 = tpu.vector_load %arg4[%get3A_255, %get3A_256, %get3A_257, %get3A_258] {strides = array<i32>} : memref<2x32x8x128xf32, #tpu.memory_space<vmem>>, vector<1x1x1x16xf32>,
      %get3A_260 = vector.shape_cast %get3A_259 : vector<1x1x1x16xf32> to vector<16xf32>
      %add3A_261 = arith.addf %add3A_252, %get3A_260 : vector<16xf32>
      %get3A_262 = arith.constant 0 : i32
      %get3A_263 = arith.constant 4 : i32
      %get3A_264 = arith.index_cast %get3A_262 : i32 to index
      %get3A_265 = arith.index_cast %scan3A_72 : i32 to index
      %get3A_266 = arith.index_cast %get3A_263 : i32 to index
      %get3A_267 = arith.constant 32 : index
      %get3A_268 = tpu.vector_load %arg4[%get3A_264, %get3A_265, %get3A_266, %get3A_267] {strides = array<i32>} : memref<2x32x8x128xf32, #tpu.memory_space<vmem>>, vector<1x1x1x16xf32>,
      %get3A_269 = vector.shape_cast %get3A_268 : vector<1x1x1x16xf32> to vector<16xf32>
      %add3A_270 = arith.addf %add3A_261, %get3A_269 : vector<16xf32>
      %get3A_271 = arith.constant 0 : i32
      %get3A_272 = arith.constant 5 : i32
      %get3A_273 = arith.index_cast %get3A_271 : i32 to index
      %get3A_274 = arith.index_cast %scan3A_72 : i32 to index
      %get3A_275 = arith.index_cast %get3A_272 : i32 to index
      %get3A_276 = arith.constant 32 : index
      %get3A_277 = tpu.vector_load %arg4[%get3A_273, %get3A_274, %get3A_275, %get3A_276] {strides = array<i32>} : memref<2x32x8x128xf32, #tpu.memory_space<vmem>>, vector<1x1x1x16xf32>,
      %get3A_278 = vector.shape_cast %get3A_277 : vector<1x1x1x16xf32> to vector<16xf32>
      %add3A_279 = arith.addf %add3A_270, %get3A_278 : vector<16xf32>
      %get3A_280 = arith.constant 0 : i32
      %get3A_281 = arith.constant 6 : i32
      %get3A_282 = arith.index_cast %get3A_280 : i32 to index
      %get3A_283 = arith.index_cast %scan3A_72 : i32 to index
      %get3A_284 = arith.index_cast %get3A_281 : i32 to index
      %get3A_285 = arith.constant 32 : index
      %get3A_286 = tpu.vector_load %arg4[%get3A_282, %get3A_283, %get3A_284, %get3A_285] {strides = array<i32>} : memref<2x32x8x128xf32, #tpu.memory_space<vmem>>, vector<1x1x1x16xf32>,
      %get3A_287 = vector.shape_cast %get3A_286 : vector<1x1x1x16xf32> to vector<16xf32>
      %add3A_288 = arith.addf %add3A_279, %get3A_287 : vector<16xf32>
      %get3A_289 = arith.constant 0 : i32
      %get3A_290 = arith.constant 7 : i32
      %get3A_291 = arith.index_cast %get3A_289 : i32 to index
      %get3A_292 = arith.index_cast %scan3A_72 : i32 to index
      %get3A_293 = arith.index_cast %get3A_290 : i32 to index
      %get3A_294 = arith.constant 32 : index
      %get3A_295 = tpu.vector_load %arg4[%get3A_291, %get3A_292, %get3A_293, %get3A_294] {strides = array<i32>} : memref<2x32x8x128xf32, #tpu.memory_space<vmem>>, vector<1x1x1x16xf32>,
      %get3A_296 = vector.shape_cast %get3A_295 : vector<1x1x1x16xf32> to vector<16xf32>
      %add3A_297 = arith.addf %add3A_288, %get3A_296 : vector<16xf32>
      %swap3A_298 = arith.constant 0 : i32
      %swap3A_299 = arith.index_cast %swap3A_298 : i32 to index
      %swap3A_300 = arith.index_cast %scan3A_72 : i32 to index
      %swap3A_301 = arith.constant 32 : index
      %swap3A_302 = tpu.vector_load %arg5[%swap3A_299, %swap3A_300, %swap3A_301] {strides = array<i32>} : memref<2x32x128xf32, #tpu.memory_space<vmem>>, vector<1x1x16xf32>,
      %swap3A_303 = vector.shape_cast %swap3A_302 : vector<1x1x16xf32> to vector<16xf32>
      %swap3A_304 = vector.shape_cast %add3A_297 : vector<16xf32> to vector<1x1x16xf32>
      tpu.vector_store %arg5[%swap3A_299, %swap3A_300, %swap3A_301], %swap3A_304 {strides = array<i32>} : memref<2x32x128xf32, #tpu.memory_space<vmem>>, vector<1x1x16xf32>,
      %get3A_305 = arith.constant 0 : i32
      %get3A_306 = arith.constant 0 : i32
      %get3A_307 = arith.index_cast %get3A_305 : i32 to index
      %get3A_308 = arith.index_cast %scan3A_72 : i32 to index
      %get3A_309 = arith.index_cast %get3A_306 : i32 to index
      %get3A_310 = arith.constant 48 : index
      %get3A_311 = tpu.vector_load %arg4[%get3A_307, %get3A_308, %get3A_309, %get3A_310] {strides = array<i32>} : memref<2x32x8x128xf32, #tpu.memory_space<vmem>>, vector<1x1x1x16xf32>,
      %get3A_312 = vector.shape_cast %get3A_311 : vector<1x1x1x16xf32> to vector<16xf32>
      %get3A_313 = arith.constant 0 : i32
      %get3A_314 = arith.constant 1 : i32
      %get3A_315 = arith.index_cast %get3A_313 : i32 to index
      %get3A_316 = arith.index_cast %scan3A_72 : i32 to index
      %get3A_317 = arith.index_cast %get3A_314 : i32 to index
      %get3A_318 = arith.constant 48 : index
      %get3A_319 = tpu.vector_load %arg4[%get3A_315, %get3A_316, %get3A_317, %get3A_318] {strides = array<i32>} : memref<2x32x8x128xf32, #tpu.memory_space<vmem>>, vector<1x1x1x16xf32>,
      %get3A_320 = vector.shape_cast %get3A_319 : vector<1x1x1x16xf32> to vector<16xf32>
      %add3A_321 = arith.addf %get3A_312, %get3A_320 : vector<16xf32>
      %get3A_322 = arith.constant 0 : i32
      %get3A_323 = arith.constant 2 : i32
      %get3A_324 = arith.index_cast %get3A_322 : i32 to index
      %get3A_325 = arith.index_cast %scan3A_72 : i32 to index
      %get3A_326 = arith.index_cast %get3A_323 : i32 to index
      %get3A_327 = arith.constant 48 : index
      %get3A_328 = tpu.vector_load %arg4[%get3A_324, %get3A_325, %get3A_326, %get3A_327] {strides = array<i32>} : memref<2x32x8x128xf32, #tpu.memory_space<vmem>>, vector<1x1x1x16xf32>,
      %get3A_329 = vector.shape_cast %get3A_328 : vector<1x1x1x16xf32> to vector<16xf32>
      %add3A_330 = arith.addf %add3A_321, %get3A_329 : vector<16xf32>
      %get3A_331 = arith.constant 0 : i32
      %get3A_332 = arith.constant 3 : i32
      %get3A_333 = arith.index_cast %get3A_331 : i32 to index
      %get3A_334 = arith.index_cast %scan3A_72 : i32 to index
      %get3A_335 = arith.index_cast %get3A_332 : i32 to index
      %get3A_336 = arith.constant 48 : index
      %get3A_337 = tpu.vector_load %arg4[%get3A_333, %get3A_334, %get3A_335, %get3A_336] {strides = array<i32>} : memref<2x32x8x128xf32, #tpu.memory_space<vmem>>, vector<1x1x1x16xf32>,
      %get3A_338 = vector.shape_cast %get3A_337 : vector<1x1x1x16xf32> to vector<16xf32>
      %add3A_339 = arith.addf %add3A_330, %get3A_338 : vector<16xf32>
      %get3A_340 = arith.constant 0 : i32
      %get3A_341 = arith.constant 4 : i32
      %get3A_342 = arith.index_cast %get3A_340 : i32 to index
      %get3A_343 = arith.index_cast %scan3A_72 : i32 to index
      %get3A_344 = arith.index_cast %get3A_341 : i32 to index
      %get3A_345 = arith.constant 48 : index
      %get3A_346 = tpu.vector_load %arg4[%get3A_342, %get3A_343, %get3A_344, %get3A_345] {strides = array<i32>} : memref<2x32x8x128xf32, #tpu.memory_space<vmem>>, vector<1x1x1x16xf32>,
      %get3A_347 = vector.shape_cast %get3A_346 : vector<1x1x1x16xf32> to vector<16xf32>
      %add3A_348 = arith.addf %add3A_339, %get3A_347 : vector<16xf32>
      %get3A_349 = arith.constant 0 : i32
      %get3A_350 = arith.constant 5 : i32
      %get3A_351 = arith.index_cast %get3A_349 : i32 to index
      %get3A_352 = arith.index_cast %scan3A_72 : i32 to index
      %get3A_353 = arith.index_cast %get3A_350 : i32 to index
      %get3A_354 = arith.constant 48 : index
      %get3A_355 = tpu.vector_load %arg4[%get3A_351, %get3A_352, %get3A_353, %get3A_354] {strides = array<i32>} : memref<2x32x8x128xf32, #tpu.memory_space<vmem>>, vector<1x1x1x16xf32>,
      %get3A_356 = vector.shape_cast %get3A_355 : vector<1x1x1x16xf32> to vector<16xf32>
      %add3A_357 = arith.addf %add3A_348, %get3A_356 : vector<16xf32>
      %get3A_358 = arith.constant 0 : i32
      %get3A_359 = arith.constant 6 : i32
      %get3A_360 = arith.index_cast %get3A_358 : i32 to index
      %get3A_361 = arith.index_cast %scan3A_72 : i32 to index
      %get3A_362 = arith.index_cast %get3A_359 : i32 to index
      %get3A_363 = arith.constant 48 : index
      %get3A_364 = tpu.vector_load %arg4[%get3A_360, %get3A_361, %get3A_362, %get3A_363] {strides = array<i32>} : memref<2x32x8x128xf32, #tpu.memory_space<vmem>>, vector<1x1x1x16xf32>,
      %get3A_365 = vector.shape_cast %get3A_364 : vector<1x1x1x16xf32> to vector<16xf32>
      %add3A_366 = arith.addf %add3A_357, %get3A_365 : vector<16xf32>
      %get3A_367 = arith.constant 0 : i32
      %get3A_368 = arith.constant 7 : i32
      %get3A_369 = arith.index_cast %get3A_367 : i32 to index
      %get3A_370 = arith.index_cast %scan3A_72 : i32 to index
      %get3A_371 = arith.index_cast %get3A_368 : i32 to index
      %get3A_372 = arith.constant 48 : index
      %get3A_373 = tpu.vector_load %arg4[%get3A_369, %get3A_370, %get3A_371, %get3A_372] {strides = array<i32>} : memref<2x32x8x128xf32, #tpu.memory_space<vmem>>, vector<1x1x1x16xf32>,
      %get3A_374 = vector.shape_cast %get3A_373 : vector<1x1x1x16xf32> to vector<16xf32>
      %add3A_375 = arith.addf %add3A_366, %get3A_374 : vector<16xf32>
      %swap3A_376 = arith.constant 0 : i32
      %swap3A_377 = arith.index_cast %swap3A_376 : i32 to index
      %swap3A_378 = arith.index_cast %scan3A_72 : i32 to index
      %swap3A_379 = arith.constant 48 : index
      %swap3A_380 = tpu.vector_load %arg5[%swap3A_377, %swap3A_378, %swap3A_379] {strides = array<i32>} : memref<2x32x128xf32, #tpu.memory_space<vmem>>, vector<1x1x16xf32>,
      %swap3A_381 = vector.shape_cast %swap3A_380 : vector<1x1x16xf32> to vector<16xf32>
      %swap3A_382 = vector.shape_cast %add3A_375 : vector<16xf32> to vector<1x1x16xf32>
      tpu.vector_store %arg5[%swap3A_377, %swap3A_378, %swap3A_379], %swap3A_382 {strides = array<i32>} : memref<2x32x128xf32, #tpu.memory_space<vmem>>, vector<1x1x16xf32>,
      %get3A_383 = arith.constant 0 : i32
      %get3A_384 = arith.constant 0 : i32
      %get3A_385 = arith.index_cast %get3A_383 : i32 to index
      %get3A_386 = arith.index_cast %scan3A_72 : i32 to index
      %get3A_387 = arith.index_cast %get3A_384 : i32 to index
      %get3A_388 = arith.constant 64 : index
      %get3A_389 = tpu.vector_load %arg4[%get3A_385, %get3A_386, %get3A_387, %get3A_388] {strides = array<i32>} : memref<2x32x8x128xf32, #tpu.memory_space<vmem>>, vector<1x1x1x16xf32>,
      %get3A_390 = vector.shape_cast %get3A_389 : vector<1x1x1x16xf32> to vector<16xf32>
      %get3A_391 = arith.constant 0 : i32
      %get3A_392 = arith.constant 1 : i32
      %get3A_393 = arith.index_cast %get3A_391 : i32 to index
      %get3A_394 = arith.index_cast %scan3A_72 : i32 to index
      %get3A_395 = arith.index_cast %get3A_392 : i32 to index
      %get3A_396 = arith.constant 64 : index
      %get3A_397 = tpu.vector_load %arg4[%get3A_393, %get3A_394, %get3A_395, %get3A_396] {strides = array<i32>} : memref<2x32x8x128xf32, #tpu.memory_space<vmem>>, vector<1x1x1x16xf32>,
      %get3A_398 = vector.shape_cast %get3A_397 : vector<1x1x1x16xf32> to vector<16xf32>
      %add3A_399 = arith.addf %get3A_390, %get3A_398 : vector<16xf32>
      %get3A_400 = arith.constant 0 : i32
      %get3A_401 = arith.constant 2 : i32
      %get3A_402 = arith.index_cast %get3A_400 : i32 to index
      %get3A_403 = arith.index_cast %scan3A_72 : i32 to index
      %get3A_404 = arith.index_cast %get3A_401 : i32 to index
      %get3A_405 = arith.constant 64 : index
      %get3A_406 = tpu.vector_load %arg4[%get3A_402, %get3A_403, %get3A_404, %get3A_405] {strides = array<i32>} : memref<2x32x8x128xf32, #tpu.memory_space<vmem>>, vector<1x1x1x16xf32>,
      %get3A_407 = vector.shape_cast %get3A_406 : vector<1x1x1x16xf32> to vector<16xf32>
      %add3A_408 = arith.addf %add3A_399, %get3A_407 : vector<16xf32>
      %get3A_409 = arith.constant 0 : i32
      %get3A_410 = arith.constant 3 : i32
      %get3A_411 = arith.index_cast %get3A_409 : i32 to index
      %get3A_412 = arith.index_cast %scan3A_72 : i32 to index
      %get3A_413 = arith.index_cast %get3A_410 : i32 to index
      %get3A_414 = arith.constant 64 : index
      %get3A_415 = tpu.vector_load %arg4[%get3A_411, %get3A_412, %get3A_413, %get3A_414] {strides = array<i32>} : memref<2x32x8x128xf32, #tpu.memory_space<vmem>>, vector<1x1x1x16xf32>,
      %get3A_416 = vector.shape_cast %get3A_415 : vector<1x1x1x16xf32> to vector<16xf32>
      %add3A_417 = arith.addf %add3A_408, %get3A_416 : vector<16xf32>
      %get3A_418 = arith.constant 0 : i32
      %get3A_419 = arith.constant 4 : i32
      %get3A_420 = arith.index_cast %get3A_418 : i32 to index
      %get3A_421 = arith.index_cast %scan3A_72 : i32 to index
      %get3A_422 = arith.index_cast %get3A_419 : i32 to index
      %get3A_423 = arith.constant 64 : index
      %get3A_424 = tpu.vector_load %arg4[%get3A_420, %get3A_421, %get3A_422, %get3A_423] {strides = array<i32>} : memref<2x32x8x128xf32, #tpu.memory_space<vmem>>, vector<1x1x1x16xf32>,
      %get3A_425 = vector.shape_cast %get3A_424 : vector<1x1x1x16xf32> to vector<16xf32>
      %add3A_426 = arith.addf %add3A_417, %get3A_425 : vector<16xf32>
      %get3A_427 = arith.constant 0 : i32
      %get3A_428 = arith.constant 5 : i32
      %get3A_429 = arith.index_cast %get3A_427 : i32 to index
      %get3A_430 = arith.index_cast %scan3A_72 : i32 to index
      %get3A_431 = arith.index_cast %get3A_428 : i32 to index
      %get3A_432 = arith.constant 64 : index
      %get3A_433 = tpu.vector_load %arg4[%get3A_429, %get3A_430, %get3A_431, %get3A_432] {strides = array<i32>} : memref<2x32x8x128xf32, #tpu.memory_space<vmem>>, vector<1x1x1x16xf32>,
      %get3A_434 = vector.shape_cast %get3A_433 : vector<1x1x1x16xf32> to vector<16xf32>
      %add3A_435 = arith.addf %add3A_426, %get3A_434 : vector<16xf32>
      %get3A_436 = arith.constant 0 : i32
      %get3A_437 = arith.constant 6 : i32
      %get3A_438 = arith.index_cast %get3A_436 : i32 to index
      %get3A_439 = arith.index_cast %scan3A_72 : i32 to index
      %get3A_440 = arith.index_cast %get3A_437 : i32 to index
      %get3A_441 = arith.constant 64 : index
      %get3A_442 = tpu.vector_load %arg4[%get3A_438, %get3A_439, %get3A_440, %get3A_441] {strides = array<i32>} : memref<2x32x8x128xf32, #tpu.memory_space<vmem>>, vector<1x1x1x16xf32>,
      %get3A_443 = vector.shape_cast %get3A_442 : vector<1x1x1x16xf32> to vector<16xf32>
      %add3A_444 = arith.addf %add3A_435, %get3A_443 : vector<16xf32>
      %get3A_445 = arith.constant 0 : i32
      %get3A_446 = arith.constant 7 : i32
      %get3A_447 = arith.index_cast %get3A_445 : i32 to index
      %get3A_448 = arith.index_cast %scan3A_72 : i32 to index
      %get3A_449 = arith.index_cast %get3A_446 : i32 to index
      %get3A_450 = arith.constant 64 : index
      %get3A_451 = tpu.vector_load %arg4[%get3A_447, %get3A_448, %get3A_449, %get3A_450] {strides = array<i32>} : memref<2x32x8x128xf32, #tpu.memory_space<vmem>>, vector<1x1x1x16xf32>,
      %get3A_452 = vector.shape_cast %get3A_451 : vector<1x1x1x16xf32> to vector<16xf32>
      %add3A_453 = arith.addf %add3A_444, %get3A_452 : vector<16xf32>
      %swap3A_454 = arith.constant 0 : i32
      %swap3A_455 = arith.index_cast %swap3A_454 : i32 to index
      %swap3A_456 = arith.index_cast %scan3A_72 : i32 to index
      %swap3A_457 = arith.constant 64 : index
      %swap3A_458 = tpu.vector_load %arg5[%swap3A_455, %swap3A_456, %swap3A_457] {strides = array<i32>} : memref<2x32x128xf32, #tpu.memory_space<vmem>>, vector<1x1x16xf32>,
      %swap3A_459 = vector.shape_cast %swap3A_458 : vector<1x1x16xf32> to vector<16xf32>
      %swap3A_460 = vector.shape_cast %add3A_453 : vector<16xf32> to vector<1x1x16xf32>
      tpu.vector_store %arg5[%swap3A_455, %swap3A_456, %swap3A_457], %swap3A_460 {strides = array<i32>} : memref<2x32x128xf32, #tpu.memory_space<vmem>>, vector<1x1x16xf32>,
      %get3A_461 = arith.constant 0 : i32
      %get3A_462 = arith.constant 0 : i32
      %get3A_463 = arith.index_cast %get3A_461 : i32 to index
      %get3A_464 = arith.index_cast %scan3A_72 : i32 to index
      %get3A_465 = arith.index_cast %get3A_462 : i32 to index
      %get3A_466 = arith.constant 80 : index
      %get3A_467 = tpu.vector_load %arg4[%get3A_463, %get3A_464, %get3A_465, %get3A_466] {strides = array<i32>} : memref<2x32x8x128xf32, #tpu.memory_space<vmem>>, vector<1x1x1x16xf32>,
      %get3A_468 = vector.shape_cast %get3A_467 : vector<1x1x1x16xf32> to vector<16xf32>
      %get3A_469 = arith.constant 0 : i32
      %get3A_470 = arith.constant 1 : i32
      %get3A_471 = arith.index_cast %get3A_469 : i32 to index
      %get3A_472 = arith.index_cast %scan3A_72 : i32 to index
      %get3A_473 = arith.index_cast %get3A_470 : i32 to index
      %get3A_474 = arith.constant 80 : index
      %get3A_475 = tpu.vector_load %arg4[%get3A_471, %get3A_472, %get3A_473, %get3A_474] {strides = array<i32>} : memref<2x32x8x128xf32, #tpu.memory_space<vmem>>, vector<1x1x1x16xf32>,
      %get3A_476 = vector.shape_cast %get3A_475 : vector<1x1x1x16xf32> to vector<16xf32>
      %add3A_477 = arith.addf %get3A_468, %get3A_476 : vector<16xf32>
      %get3A_478 = arith.constant 0 : i32
      %get3A_479 = arith.constant 2 : i32
      %get3A_480 = arith.index_cast %get3A_478 : i32 to index
      %get3A_481 = arith.index_cast %scan3A_72 : i32 to index
      %get3A_482 = arith.index_cast %get3A_479 : i32 to index
      %get3A_483 = arith.constant 80 : index
      %get3A_484 = tpu.vector_load %arg4[%get3A_480, %get3A_481, %get3A_482, %get3A_483] {strides = array<i32>} : memref<2x32x8x128xf32, #tpu.memory_space<vmem>>, vector<1x1x1x16xf32>,
      %get3A_485 = vector.shape_cast %get3A_484 : vector<1x1x1x16xf32> to vector<16xf32>
      %add3A_486 = arith.addf %add3A_477, %get3A_485 : vector<16xf32>
      %get3A_487 = arith.constant 0 : i32
      %get3A_488 = arith.constant 3 : i32
      %get3A_489 = arith.index_cast %get3A_487 : i32 to index
      %get3A_490 = arith.index_cast %scan3A_72 : i32 to index
      %get3A_491 = arith.index_cast %get3A_488 : i32 to index
      %get3A_492 = arith.constant 80 : index
      %get3A_493 = tpu.vector_load %arg4[%get3A_489, %get3A_490, %get3A_491, %get3A_492] {strides = array<i32>} : memref<2x32x8x128xf32, #tpu.memory_space<vmem>>, vector<1x1x1x16xf32>,
      %get3A_494 = vector.shape_cast %get3A_493 : vector<1x1x1x16xf32> to vector<16xf32>
      %add3A_495 = arith.addf %add3A_486, %get3A_494 : vector<16xf32>
      %get3A_496 = arith.constant 0 : i32
      %get3A_497 = arith.constant 4 : i32
      %get3A_498 = arith.index_cast %get3A_496 : i32 to index
      %get3A_499 = arith.index_cast %scan3A_72 : i32 to index
      %get3A_500 = arith.index_cast %get3A_497 : i32 to index
      %get3A_501 = arith.constant 80 : index
      %get3A_502 = tpu.vector_load %arg4[%get3A_498, %get3A_499, %get3A_500, %get3A_501] {strides = array<i32>} : memref<2x32x8x128xf32, #tpu.memory_space<vmem>>, vector<1x1x1x16xf32>,
      %get3A_503 = vector.shape_cast %get3A_502 : vector<1x1x1x16xf32> to vector<16xf32>
      %add3A_504 = arith.addf %add3A_495, %get3A_503 : vector<16xf32>
      %get3A_505 = arith.constant 0 : i32
      %get3A_506 = arith.constant 5 : i32
      %get3A_507 = arith.index_cast %get3A_505 : i32 to index
      %get3A_508 = arith.index_cast %scan3A_72 : i32 to index
      %get3A_509 = arith.index_cast %get3A_506 : i32 to index
      %get3A_510 = arith.constant 80 : index
      %get3A_511 = tpu.vector_load %arg4[%get3A_507, %get3A_508, %get3A_509, %get3A_510] {strides = array<i32>} : memref<2x32x8x128xf32, #tpu.memory_space<vmem>>, vector<1x1x1x16xf32>,
      %get3A_512 = vector.shape_cast %get3A_511 : vector<1x1x1x16xf32> to vector<16xf32>
      %add3A_513 = arith.addf %add3A_504, %get3A_512 : vector<16xf32>
      %get3A_514 = arith.constant 0 : i32
      %get3A_515 = arith.constant 6 : i32
      %get3A_516 = arith.index_cast %get3A_514 : i32 to index
      %get3A_517 = arith.index_cast %scan3A_72 : i32 to index
      %get3A_518 = arith.index_cast %get3A_515 : i32 to index
      %get3A_519 = arith.constant 80 : index
      %get3A_520 = tpu.vector_load %arg4[%get3A_516, %get3A_517, %get3A_518, %get3A_519] {strides = array<i32>} : memref<2x32x8x128xf32, #tpu.memory_space<vmem>>, vector<1x1x1x16xf32>,
      %get3A_521 = vector.shape_cast %get3A_520 : vector<1x1x1x16xf32> to vector<16xf32>
      %add3A_522 = arith.addf %add3A_513, %get3A_521 : vector<16xf32>
      %get3A_523 = arith.constant 0 : i32
      %get3A_524 = arith.constant 7 : i32
      %get3A_525 = arith.index_cast %get3A_523 : i32 to index
      %get3A_526 = arith.index_cast %scan3A_72 : i32 to index
      %get3A_527 = arith.index_cast %get3A_524 : i32 to index
      %get3A_528 = arith.constant 80 : index
      %get3A_529 = tpu.vector_load %arg4[%get3A_525, %get3A_526, %get3A_527, %get3A_528] {strides = array<i32>} : memref<2x32x8x128xf32, #tpu.memory_space<vmem>>, vector<1x1x1x16xf32>,
      %get3A_530 = vector.shape_cast %get3A_529 : vector<1x1x1x16xf32> to vector<16xf32>
      %add3A_531 = arith.addf %add3A_522, %get3A_530 : vector<16xf32>
      %swap3A_532 = arith.constant 0 : i32
      %swap3A_533 = arith.index_cast %swap3A_532 : i32 to index
      %swap3A_534 = arith.index_cast %scan3A_72 : i32 to index
      %swap3A_535 = arith.constant 80 : index
      %swap3A_536 = tpu.vector_load %arg5[%swap3A_533, %swap3A_534, %swap3A_535] {strides = array<i32>} : memref<2x32x128xf32, #tpu.memory_space<vmem>>, vector<1x1x16xf32>,
      %swap3A_537 = vector.shape_cast %swap3A_536 : vector<1x1x16xf32> to vector<16xf32>
      %swap3A_538 = vector.shape_cast %add3A_531 : vector<16xf32> to vector<1x1x16xf32>
      tpu.vector_store %arg5[%swap3A_533, %swap3A_534, %swap3A_535], %swap3A_538 {strides = array<i32>} : memref<2x32x128xf32, #tpu.memory_space<vmem>>, vector<1x1x16xf32>,
      %get3A_539 = arith.constant 0 : i32
      %get3A_540 = arith.constant 0 : i32
      %get3A_541 = arith.index_cast %get3A_539 : i32 to index
      %get3A_542 = arith.index_cast %scan3A_72 : i32 to index
      %get3A_543 = arith.index_cast %get3A_540 : i32 to index
      %get3A_544 = arith.constant 96 : index
      %get3A_545 = tpu.vector_load %arg4[%get3A_541, %get3A_542, %get3A_543, %get3A_544] {strides = array<i32>} : memref<2x32x8x128xf32, #tpu.memory_space<vmem>>, vector<1x1x1x16xf32>,
      %get3A_546 = vector.shape_cast %get3A_545 : vector<1x1x1x16xf32> to vector<16xf32>
      %get3A_547 = arith.constant 0 : i32
      %get3A_548 = arith.constant 1 : i32
      %get3A_549 = arith.index_cast %get3A_547 : i32 to index
      %get3A_550 = arith.index_cast %scan3A_72 : i32 to index
      %get3A_551 = arith.index_cast %get3A_548 : i32 to index
      %get3A_552 = arith.constant 96 : index
      %get3A_553 = tpu.vector_load %arg4[%get3A_549, %get3A_550, %get3A_551, %get3A_552] {strides = array<i32>} : memref<2x32x8x128xf32, #tpu.memory_space<vmem>>, vector<1x1x1x16xf32>,
      %get3A_554 = vector.shape_cast %get3A_553 : vector<1x1x1x16xf32> to vector<16xf32>
      %add3A_555 = arith.addf %get3A_546, %get3A_554 : vector<16xf32>
      %get3A_556 = arith.constant 0 : i32
      %get3A_557 = arith.constant 2 : i32
      %get3A_558 = arith.index_cast %get3A_556 : i32 to index
      %get3A_559 = arith.index_cast %scan3A_72 : i32 to index
      %get3A_560 = arith.index_cast %get3A_557 : i32 to index
      %get3A_561 = arith.constant 96 : index
      %get3A_562 = tpu.vector_load %arg4[%get3A_558, %get3A_559, %get3A_560, %get3A_561] {strides = array<i32>} : memref<2x32x8x128xf32, #tpu.memory_space<vmem>>, vector<1x1x1x16xf32>,
      %get3A_563 = vector.shape_cast %get3A_562 : vector<1x1x1x16xf32> to vector<16xf32>
      %add3A_564 = arith.addf %add3A_555, %get3A_563 : vector<16xf32>
      %get3A_565 = arith.constant 0 : i32
      %get3A_566 = arith.constant 3 : i32
      %get3A_567 = arith.index_cast %get3A_565 : i32 to index
      %get3A_568 = arith.index_cast %scan3A_72 : i32 to index
      %get3A_569 = arith.index_cast %get3A_566 : i32 to index
      %get3A_570 = arith.constant 96 : index
      %get3A_571 = tpu.vector_load %arg4[%get3A_567, %get3A_568, %get3A_569, %get3A_570] {strides = array<i32>} : memref<2x32x8x128xf32, #tpu.memory_space<vmem>>, vector<1x1x1x16xf32>,
      %get3A_572 = vector.shape_cast %get3A_571 : vector<1x1x1x16xf32> to vector<16xf32>
      %add3A_573 = arith.addf %add3A_564, %get3A_572 : vector<16xf32>
      %get3A_574 = arith.constant 0 : i32
      %get3A_575 = arith.constant 4 : i32
      %get3A_576 = arith.index_cast %get3A_574 : i32 to index
      %get3A_577 = arith.index_cast %scan3A_72 : i32 to index
      %get3A_578 = arith.index_cast %get3A_575 : i32 to index
      %get3A_579 = arith.constant 96 : index
      %get3A_580 = tpu.vector_load %arg4[%get3A_576, %get3A_577, %get3A_578, %get3A_579] {strides = array<i32>} : memref<2x32x8x128xf32, #tpu.memory_space<vmem>>, vector<1x1x1x16xf32>,
      %get3A_581 = vector.shape_cast %get3A_580 : vector<1x1x1x16xf32> to vector<16xf32>
      %add3A_582 = arith.addf %add3A_573, %get3A_581 : vector<16xf32>
      %get3A_583 = arith.constant 0 : i32
      %get3A_584 = arith.constant 5 : i32
      %get3A_585 = arith.index_cast %get3A_583 : i32 to index
      %get3A_586 = arith.index_cast %scan3A_72 : i32 to index
      %get3A_587 = arith.index_cast %get3A_584 : i32 to index
      %get3A_588 = arith.constant 96 : index
      %get3A_589 = tpu.vector_load %arg4[%get3A_585, %get3A_586, %get3A_587, %get3A_588] {strides = array<i32>} : memref<2x32x8x128xf32, #tpu.memory_space<vmem>>, vector<1x1x1x16xf32>,
      %get3A_590 = vector.shape_cast %get3A_589 : vector<1x1x1x16xf32> to vector<16xf32>
      %add3A_591 = arith.addf %add3A_582, %get3A_590 : vector<16xf32>
      %get3A_592 = arith.constant 0 : i32
      %get3A_593 = arith.constant 6 : i32
      %get3A_594 = arith.index_cast %get3A_592 : i32 to index
      %get3A_595 = arith.index_cast %scan3A_72 : i32 to index
      %get3A_596 = arith.index_cast %get3A_593 : i32 to index
      %get3A_597 = arith.constant 96 : index
      %get3A_598 = tpu.vector_load %arg4[%get3A_594, %get3A_595, %get3A_596, %get3A_597] {strides = array<i32>} : memref<2x32x8x128xf32, #tpu.memory_space<vmem>>, vector<1x1x1x16xf32>,
      %get3A_599 = vector.shape_cast %get3A_598 : vector<1x1x1x16xf32> to vector<16xf32>
      %add3A_600 = arith.addf %add3A_591, %get3A_599 : vector<16xf32>
      %get3A_601 = arith.constant 0 : i32
      %get3A_602 = arith.constant 7 : i32
      %get3A_603 = arith.index_cast %get3A_601 : i32 to index
      %get3A_604 = arith.index_cast %scan3A_72 : i32 to index
      %get3A_605 = arith.index_cast %get3A_602 : i32 to index
      %get3A_606 = arith.constant 96 : index
      %get3A_607 = tpu.vector_load %arg4[%get3A_603, %get3A_604, %get3A_605, %get3A_606] {strides = array<i32>} : memref<2x32x8x128xf32, #tpu.memory_space<vmem>>, vector<1x1x1x16xf32>,
      %get3A_608 = vector.shape_cast %get3A_607 : vector<1x1x1x16xf32> to vector<16xf32>
      %add3A_609 = arith.addf %add3A_600, %get3A_608 : vector<16xf32>
      %swap3A_610 = arith.constant 0 : i32
      %swap3A_611 = arith.index_cast %swap3A_610 : i32 to index
      %swap3A_612 = arith.index_cast %scan3A_72 : i32 to index
      %swap3A_613 = arith.constant 96 : index
      %swap3A_614 = tpu.vector_load %arg5[%swap3A_611, %swap3A_612, %swap3A_613] {strides = array<i32>} : memref<2x32x128xf32, #tpu.memory_space<vmem>>, vector<1x1x16xf32>,
      %swap3A_615 = vector.shape_cast %swap3A_614 : vector<1x1x16xf32> to vector<16xf32>
      %swap3A_616 = vector.shape_cast %add3A_609 : vector<16xf32> to vector<1x1x16xf32>
      tpu.vector_store %arg5[%swap3A_611, %swap3A_612, %swap3A_613], %swap3A_616 {strides = array<i32>} : memref<2x32x128xf32, #tpu.memory_space<vmem>>, vector<1x1x16xf32>,
      %get3A_617 = arith.constant 0 : i32
      %get3A_618 = arith.constant 0 : i32
      %get3A_619 = arith.index_cast %get3A_617 : i32 to index
      %get3A_620 = arith.index_cast %scan3A_72 : i32 to index
      %get3A_621 = arith.index_cast %get3A_618 : i32 to index
      %get3A_622 = arith.constant 112 : index
      %get3A_623 = tpu.vector_load %arg4[%get3A_619, %get3A_620, %get3A_621, %get3A_622] {strides = array<i32>} : memref<2x32x8x128xf32, #tpu.memory_space<vmem>>, vector<1x1x1x16xf32>,
      %get3A_624 = vector.shape_cast %get3A_623 : vector<1x1x1x16xf32> to vector<16xf32>
      %get3A_625 = arith.constant 0 : i32
      %get3A_626 = arith.constant 1 : i32
      %get3A_627 = arith.index_cast %get3A_625 : i32 to index
      %get3A_628 = arith.index_cast %scan3A_72 : i32 to index
      %get3A_629 = arith.index_cast %get3A_626 : i32 to index
      %get3A_630 = arith.constant 112 : index
      %get3A_631 = tpu.vector_load %arg4[%get3A_627, %get3A_628, %get3A_629, %get3A_630] {strides = array<i32>} : memref<2x32x8x128xf32, #tpu.memory_space<vmem>>, vector<1x1x1x16xf32>,
      %get3A_632 = vector.shape_cast %get3A_631 : vector<1x1x1x16xf32> to vector<16xf32>
      %add3A_633 = arith.addf %get3A_624, %get3A_632 : vector<16xf32>
      %get3A_634 = arith.constant 0 : i32
      %get3A_635 = arith.constant 2 : i32
      %get3A_636 = arith.index_cast %get3A_634 : i32 to index
      %get3A_637 = arith.index_cast %scan3A_72 : i32 to index
      %get3A_638 = arith.index_cast %get3A_635 : i32 to index
      %get3A_639 = arith.constant 112 : index
      %get3A_640 = tpu.vector_load %arg4[%get3A_636, %get3A_637, %get3A_638, %get3A_639] {strides = array<i32>} : memref<2x32x8x128xf32, #tpu.memory_space<vmem>>, vector<1x1x1x16xf32>,
      %get3A_641 = vector.shape_cast %get3A_640 : vector<1x1x1x16xf32> to vector<16xf32>
      %add3A_642 = arith.addf %add3A_633, %get3A_641 : vector<16xf32>
      %get3A_643 = arith.constant 0 : i32
      %get3A_644 = arith.constant 3 : i32
      %get3A_645 = arith.index_cast %get3A_643 : i32 to index
      %get3A_646 = arith.index_cast %scan3A_72 : i32 to index
      %get3A_647 = arith.index_cast %get3A_644 : i32 to index
      %get3A_648 = arith.constant 112 : index
      %get3A_649 = tpu.vector_load %arg4[%get3A_645, %get3A_646, %get3A_647, %get3A_648] {strides = array<i32>} : memref<2x32x8x128xf32, #tpu.memory_space<vmem>>, vector<1x1x1x16xf32>,
      %get3A_650 = vector.shape_cast %get3A_649 : vector<1x1x1x16xf32> to vector<16xf32>
      %add3A_651 = arith.addf %add3A_642, %get3A_650 : vector<16xf32>
      %get3A_652 = arith.constant 0 : i32
      %get3A_653 = arith.constant 4 : i32
      %get3A_654 = arith.index_cast %get3A_652 : i32 to index
      %get3A_655 = arith.index_cast %scan3A_72 : i32 to index
      %get3A_656 = arith.index_cast %get3A_653 : i32 to index
      %get3A_657 = arith.constant 112 : index
      %get3A_658 = tpu.vector_load %arg4[%get3A_654, %get3A_655, %get3A_656, %get3A_657] {strides = array<i32>} : memref<2x32x8x128xf32, #tpu.memory_space<vmem>>, vector<1x1x1x16xf32>,
      %get3A_659 = vector.shape_cast %get3A_658 : vector<1x1x1x16xf32> to vector<16xf32>
      %add3A_660 = arith.addf %add3A_651, %get3A_659 : vector<16xf32>
      %get3A_661 = arith.constant 0 : i32
      %get3A_662 = arith.constant 5 : i32
      %get3A_663 = arith.index_cast %get3A_661 : i32 to index
      %get3A_664 = arith.index_cast %scan3A_72 : i32 to index
      %get3A_665 = arith.index_cast %get3A_662 : i32 to index
      %get3A_666 = arith.constant 112 : index
      %get3A_667 = tpu.vector_load %arg4[%get3A_663, %get3A_664, %get3A_665, %get3A_666] {strides = array<i32>} : memref<2x32x8x128xf32, #tpu.memory_space<vmem>>, vector<1x1x1x16xf32>,
      %get3A_668 = vector.shape_cast %get3A_667 : vector<1x1x1x16xf32> to vector<16xf32>
      %add3A_669 = arith.addf %add3A_660, %get3A_668 : vector<16xf32>
      %get3A_670 = arith.constant 0 : i32
      %get3A_671 = arith.constant 6 : i32
      %get3A_672 = arith.index_cast %get3A_670 : i32 to index
      %get3A_673 = arith.index_cast %scan3A_72 : i32 to index
      %get3A_674 = arith.index_cast %get3A_671 : i32 to index
      %get3A_675 = arith.constant 112 : index
      %get3A_676 = tpu.vector_load %arg4[%get3A_672, %get3A_673, %get3A_674, %get3A_675] {strides = array<i32>} : memref<2x32x8x128xf32, #tpu.memory_space<vmem>>, vector<1x1x1x16xf32>,
      %get3A_677 = vector.shape_cast %get3A_676 : vector<1x1x1x16xf32> to vector<16xf32>
      %add3A_678 = arith.addf %add3A_669, %get3A_677 : vector<16xf32>
      %get3A_679 = arith.constant 0 : i32
      %get3A_680 = arith.constant 7 : i32
      %get3A_681 = arith.index_cast %get3A_679 : i32 to index
      %get3A_682 = arith.index_cast %scan3A_72 : i32 to index
      %get3A_683 = arith.index_cast %get3A_680 : i32 to index
      %get3A_684 = arith.constant 112 : index
      %get3A_685 = tpu.vector_load %arg4[%get3A_681, %get3A_682, %get3A_683, %get3A_684] {strides = array<i32>} : memref<2x32x8x128xf32, #tpu.memory_space<vmem>>, vector<1x1x1x16xf32>,
      %get3A_686 = vector.shape_cast %get3A_685 : vector<1x1x1x16xf32> to vector<16xf32>
      %add3A_687 = arith.addf %add3A_678, %get3A_686 : vector<16xf32>
      %swap3A_688 = arith.constant 0 : i32
      %swap3A_689 = arith.index_cast %swap3A_688 : i32 to index
      %swap3A_690 = arith.index_cast %scan3A_72 : i32 to index
      %swap3A_691 = arith.constant 112 : index
      %swap3A_692 = tpu.vector_load %arg5[%swap3A_689, %swap3A_690, %swap3A_691] {strides = array<i32>} : memref<2x32x128xf32, #tpu.memory_space<vmem>>, vector<1x1x16xf32>,
      %swap3A_693 = vector.shape_cast %swap3A_692 : vector<1x1x16xf32> to vector<16xf32>
      %swap3A_694 = vector.shape_cast %add3A_687 : vector<16xf32> to vector<1x1x16xf32>
      tpu.vector_store %arg5[%swap3A_689, %swap3A_690, %swap3A_691], %swap3A_694 {strides = array<i32>} : memref<2x32x128xf32, #tpu.memory_space<vmem>>, vector<1x1x16xf32>,
    }
    %scan3A_43 = arith.constant 32 : i32
    %add3A_44 = arith.constant 0 : i32
    %add3A_45 = arith.addi %mul3A_2, %add3A_44 : i32
    %dma_start3A_46 = arith.constant 0 : i32
    %dma_start3A_47 = arith.constant 0 : i32
    %dma_start3A_48 = arith.constant 0 : i32
    %dma_start3A_49 = tpu.memref_slice %arg5[%dma_start3A_46, %dma_start3A_47, %dma_start3A_48] : memref<2x32x128xf32, #tpu.memory_space<vmem>> -> memref<1x32x128xf32, #tpu.memory_space<vmem>>
    %dma_start3A_50 = tpu.memref_squeeze %dma_start3A_49 : memref<1x32x128xf32, #tpu.memory_space<vmem>> -> memref<32x128xf32, #tpu.memory_space<vmem>>
    %dma_start3A_51 = arith.constant 0 : i32
    %dma_start3A_52 = tpu.memref_slice %arg3[%add3A_45, %dma_start3A_51] : memref<1024x128xf32, #tpu.memory_space<hbm>> -> memref<32x128xf32, #tpu.memory_space<hbm>>
    %dma_start3A_53 = arith.constant 0 : i32
    %dma_start3A_54 = tpu.memref_slice %arg3[%add3A_45, %dma_start3A_53] : memref<1024x128xf32, #tpu.memory_space<hbm>> -> memref<32x128xf32, #tpu.memory_space<hbm>>
    %dma_start3A_55 = arith.constant 0 : i32
    %dma_start3A_56 = arith.constant 0 : i32
    %dma_start3A_57 = tpu.memref_slice %arg5[%dma_start3A_46, %dma_start3A_55, %dma_start3A_56] : memref<2x32x128xf32, #tpu.memory_space<vmem>> -> memref<1x32x128xf32, #tpu.memory_space<vmem>>
    %dma_start3A_58 = tpu.memref_squeeze %dma_start3A_57 : memref<1x32x128xf32, #tpu.memory_space<vmem>> -> memref<32x128xf32, #tpu.memory_space<vmem>>
    tpu.enqueue_dma source(%dma_start3A_58 : memref<32x128xf32, #tpu.memory_space<vmem>>) target(%dma_start3A_54 : memref<32x128xf32, #tpu.memory_space<hbm>>) target_semaphore(%arg8 : memref<!tpu.dma_semaphore, #tpu.memory_space<semaphore_mem>>)
    %dma_wait3A_59 = arith.constant 0 : i32
    %dma_wait3A_60 = arith.constant 0 : i32
    %dma_wait3A_61 = arith.constant 0 : i32
    %dma_wait3A_62 = tpu.memref_slice %arg5[%dma_wait3A_59, %dma_wait3A_60, %dma_wait3A_61] : memref<2x32x128xf32, #tpu.memory_space<vmem>> -> memref<1x32x128xf32, #tpu.memory_space<vmem>>
    %dma_wait3A_63 = tpu.memref_squeeze %dma_wait3A_62 : memref<1x32x128xf32, #tpu.memory_space<vmem>> -> memref<32x128xf32, #tpu.memory_space<vmem>>
    %dma_wait3A_64 = arith.constant 0 : i32
    %dma_wait3A_65 = tpu.memref_slice %arg3[%add3A_45, %dma_wait3A_64] : memref<1024x128xf32, #tpu.memory_space<hbm>> -> memref<32x128xf32, #tpu.memory_space<hbm>>
    %dma_wait3A_66 = arith.constant 0 : i32
    %dma_wait3A_67 = tpu.memref_slice %arg3[%add3A_45, %dma_wait3A_66] : memref<1024x128xf32, #tpu.memory_space<hbm>> -> memref<32x128xf32, #tpu.memory_space<hbm>>
    %dma_wait3A_68 = arith.constant 0 : i32
    %dma_wait3A_69 = arith.constant 0 : i32
    %dma_wait3A_70 = tpu.memref_slice %arg5[%dma_wait3A_59, %dma_wait3A_68, %dma_wait3A_69] : memref<2x32x128xf32, #tpu.memory_space<vmem>> -> memref<1x32x128xf32, #tpu.memory_space<vmem>>
    %dma_wait3A_71 = tpu.memref_squeeze %dma_wait3A_70 : memref<1x32x128xf32, #tpu.memory_space<vmem>> -> memref<32x128xf32, #tpu.memory_space<vmem>>
    tpu.wait_dma2 semaphore(%arg8 : memref<!tpu.dma_semaphore, #tpu.memory_space<semaphore_mem>>) src(%dma_wait3A_71 : memref<32x128xf32, #tpu.memory_space<vmem>>) dst(%dma_wait3A_67 : memref<32x128xf32, #tpu.memory_space<hbm>>)
    return
  }
}

module attributes {stable_mosaic.version = 14 : i64} {
  func.func @_fused_body(%arg0: i32, %arg1: memref<1024x8x128xf32, #tpu.memory_space<vmem>>, %arg2: memref<1024x8xi32, #tpu.memory_space<vmem>>, %arg3: memref<128x128xf32, #tpu.memory_space<vmem>>, %arg4: memref<128x128xf32, #tpu.memory_space<vmem>>, %arg5: memref<1x128xf32, #tpu.memory_space<vmem>>, %arg6: memref<128x128xf32, #tpu.memory_space<vmem>>, %arg7: memref<1x128xf32, #tpu.memory_space<vmem>>, %arg8: memref<128x8xf32, #tpu.memory_space<vmem>>, %arg9: memref<1x8xf32, #tpu.memory_space<vmem>>, %arg10: memref<1024x8xf32, #tpu.memory_space<vmem>>) attributes {dimension_semantics = [#tpu.dimension_semantics<arbitrary>], iteration_bounds = array<i64: 3>, scalar_prefetch = 0 : i64, scratch_operands = 0 : i64, tpu.core_type = #tpu.core_type<tc>, window_params = [{transform_indices = @transform_0, window_bounds = array<i64: 1024, 8, 128>}, {transform_indices = @transform_1, window_bounds = array<i64: 1024, 8>}, {pipeline_mode = #tpu.pipeline_mode<synchronous>, transform_indices = @transform_2, window_bounds = array<i64: 128, 128>}, {pipeline_mode = #tpu.pipeline_mode<synchronous>, transform_indices = @transform_3, window_bounds = array<i64: 128, 128>}, {pipeline_mode = #tpu.pipeline_mode<synchronous>, transform_indices = @transform_4, window_bounds = array<i64: 1, 128>}, {pipeline_mode = #tpu.pipeline_mode<synchronous>, transform_indices = @transform_5, window_bounds = array<i64: 128, 128>}, {pipeline_mode = #tpu.pipeline_mode<synchronous>, transform_indices = @transform_6, window_bounds = array<i64: 1, 128>}, {pipeline_mode = #tpu.pipeline_mode<synchronous>, transform_indices = @transform_7, window_bounds = array<i64: 128, 8>}, {pipeline_mode = #tpu.pipeline_mode<synchronous>, transform_indices = @transform_8, window_bounds = array<i64: 1, 8>}, {transform_indices = @transform_9, window_bounds = array<i64: 1024, 8>}]} {
    %get3A = arith.constant 0 : index
    %get3A_0 = arith.constant 0 : index
    %get3A_1 = arith.constant 0 : index
    %get3A_2 = vector.load %arg1[%get3A, %get3A_0, %get3A_1] : memref<1024x8x128xf32, #tpu.memory_space<vmem>>, vector<1024x8x128xf32>
    %reduce_sum3A = arith.constant dense<0.000000e+00> : vector<1024x128xf32>
    %reduce_sum3A_3 = vector.multi_reduction <add>, %get3A_2, %reduce_sum3A [1] : vector<1024x8x128xf32> to vector<1024x128xf32>
    %get3A_4 = arith.constant 0 : index
    %get3A_5 = arith.constant 0 : index
    %get3A_6 = vector.load %arg2[%get3A_4, %get3A_5] : memref<1024x8xi32, #tpu.memory_space<vmem>>, vector<1024x8xi32>
    %iota3A = tpu.iota {dimensions = array<i32: 1>} : vector<1024x128xi32>
    %jit3A = arith.constant 16 : i32
    %div3A = vector.broadcast %jit3A : i32 to vector<1024x128xi32>
    %div3A_7 = arith.divsi %iota3A, %div3A : vector<1024x128xi32>
    %sign3A = arith.constant 0 : i32
    %sign3A_8 = vector.broadcast %sign3A : i32 to vector<1024x128xi32>
    %sign3A_9 = arith.cmpi sgt, %iota3A, %sign3A_8 : vector<1024x128xi32>
    %sign3A_10 = arith.extui %sign3A_9 : vector<1024x128xi1> to vector<1024x128xi32>
    %sign3A_11 = arith.constant 0 : i32
    %sign3A_12 = vector.broadcast %sign3A_11 : i32 to vector<1024x128xi32>
    %sign3A_13 = arith.cmpi slt, %iota3A, %sign3A_12 : vector<1024x128xi32>
    %sign3A_14 = arith.extui %sign3A_13 : vector<1024x128xi1> to vector<1024x128xi32>
    %sign3A_15 = arith.subi %sign3A_10, %sign3A_14 : vector<1024x128xi32>
    %sign3A_16 = arith.constant 0 : i32
    %sign3A_17 = arith.cmpi sgt, %jit3A, %sign3A_16 : i32
    %sign3A_18 = arith.extui %sign3A_17 : i1 to i32
    %sign3A_19 = arith.constant 0 : i32
    %sign3A_20 = arith.cmpi slt, %jit3A, %sign3A_19 : i32
    %sign3A_21 = arith.extui %sign3A_20 : i1 to i32
    %sign3A_22 = arith.subi %sign3A_18, %sign3A_21 : i32
    %ne3A = vector.broadcast %sign3A_22 : i32 to vector<1024x128xi32>
    %ne3A_23 = arith.cmpi ne, %sign3A_15, %ne3A : vector<1024x128xi32>
    %rem3A = vector.broadcast %jit3A : i32 to vector<1024x128xi32>
    %rem3A_24 = arith.remsi %iota3A, %rem3A : vector<1024x128xi32>
    %ne3A_25 = arith.constant 0 : i32
    %ne3A_26 = vector.broadcast %ne3A_25 : i32 to vector<1024x128xi32>
    %ne3A_27 = arith.cmpi ne, %rem3A_24, %ne3A_26 : vector<1024x128xi32>
    %and3A = arith.andi %ne3A_23, %ne3A_27 : vector<1024x128xi1>
    %sub3A = arith.constant 1 : i32
    %sub3A_28 = vector.broadcast %sub3A : i32 to vector<1024x128xi32>
    %sub3A_29 = arith.subi %div3A_7, %sub3A_28 : vector<1024x128xi32>
    %select_n3A = arith.select %and3A, %sub3A_29, %div3A_7 : vector<1024x128xi1>, vector<1024x128xi32>
    %lt3A = arith.constant 0 : i32
    %lt3A_30 = vector.broadcast %lt3A : i32 to vector<1024x128xi32>
    %lt3A_31 = arith.cmpi slt, %select_n3A, %lt3A_30 : vector<1024x128xi32>
    %add3A = arith.constant 8 : i32
    %add3A_32 = vector.broadcast %add3A : i32 to vector<1024x128xi32>
    %add3A_33 = arith.addi %select_n3A, %add3A_32 : vector<1024x128xi32>
    %select_n3A_34 = arith.select %lt3A_31, %add3A_33, %select_n3A : vector<1024x128xi1>, vector<1024x128xi32>
    %reshape3A = vector.shape_cast %select_n3A_34 : vector<1024x128xi32> to vector<1024x128x1xi32>
    %gather3A = vector.shape_cast %reshape3A : vector<1024x128x1xi32> to vector<1024x128xi32>
    %gather3A_35 = tpu.dynamic_gather %get3A_6[%gather3A] in [1] : vector<1024x8xi32>, vector<1024x128xi32> -> vector<1024x128xi32>
    %jit3A_36 = arith.constant 16 : i32
    %eq3A = arith.constant 0 : i32
    %eq3A_37 = arith.cmpi eq, %jit3A_36, %eq3A : i32
    %jit3A_38 = arith.constant 1 : i32
    %select_n3A_39 = arith.select %eq3A_37, %jit3A_38, %jit3A_36 : i32
    %rem3A_40 = vector.broadcast %select_n3A_39 : i32 to vector<1024x128xi32>
    %rem3A_41 = arith.remsi %iota3A, %rem3A_40 : vector<1024x128xi32>
    %ne3A_42 = arith.constant 0 : i32
    %ne3A_43 = vector.broadcast %ne3A_42 : i32 to vector<1024x128xi32>
    %ne3A_44 = arith.cmpi ne, %rem3A_41, %ne3A_43 : vector<1024x128xi32>
    %lt3A_45 = arith.constant 0 : i32
    %lt3A_46 = vector.broadcast %lt3A_45 : i32 to vector<1024x128xi32>
    %lt3A_47 = arith.cmpi slt, %rem3A_41, %lt3A_46 : vector<1024x128xi32>
    %lt3A_48 = arith.constant 0 : i32
    %lt3A_49 = arith.cmpi slt, %select_n3A_39, %lt3A_48 : i32
    %ne3A_50 = vector.broadcast %lt3A_49 : i1 to vector<1024x128xi1>
    %ne3A_51 = vector.broadcast %ne3A_50 : vector<1024x128xi1> to vector<1024x128xi1>
    %ne3A_52 = arith.xori %lt3A_47, %ne3A_51 : vector<1024x128xi1>
    %and3A_53 = arith.andi %ne3A_52, %ne3A_44 : vector<1024x128xi1>
    %add3A_54 = vector.broadcast %select_n3A_39 : i32 to vector<1024x128xi32>
    %add3A_55 = arith.addi %rem3A_41, %add3A_54 : vector<1024x128xi32>
    %select_n3A_56 = arith.select %and3A_53, %add3A_55, %rem3A_41 : vector<1024x128xi1>, vector<1024x128xi32>
    %eq3A_57 = arith.cmpi eq, %select_n3A_56, %gather3A_35 : vector<1024x128xi32>
    %convert_element_type3A = arith.extui %eq3A_57 : vector<1024x128xi1> to vector<1024x128xi32>
    %convert_element_type3A_58 = arith.sitofp %convert_element_type3A : vector<1024x128xi32> to vector<1024x128xf32>
    %get3A_59 = arith.constant 0 : index
    %get3A_60 = arith.constant 0 : index
    %get3A_61 = vector.load %arg3[%get3A_59, %get3A_60] : memref<128x128xf32, #tpu.memory_space<vmem>>, vector<128x128xf32>
    %get3A_62 = arith.constant 0 : index
    %get3A_63 = arith.constant 0 : index
    %get3A_64 = vector.load %arg4[%get3A_62, %get3A_63] : memref<128x128xf32, #tpu.memory_space<vmem>>, vector<128x128xf32>
    %get3A_65 = arith.constant 0 : index
    %get3A_66 = arith.constant 0 : index
    %get3A_67 = vector.load %arg5[%get3A_65, %get3A_66] : memref<1x128xf32, #tpu.memory_space<vmem>>, vector<1x128xf32>
    %get3A_68 = arith.constant 0 : index
    %get3A_69 = arith.constant 0 : index
    %get3A_70 = vector.load %arg6[%get3A_68, %get3A_69] : memref<128x128xf32, #tpu.memory_space<vmem>>, vector<128x128xf32>
    %get3A_71 = arith.constant 0 : index
    %get3A_72 = arith.constant 0 : index
    %get3A_73 = vector.load %arg7[%get3A_71, %get3A_72] : memref<1x128xf32, #tpu.memory_space<vmem>>, vector<1x128xf32>
    %get3A_74 = arith.constant 0 : index
    %get3A_75 = arith.constant 0 : index
    %get3A_76 = vector.load %arg8[%get3A_74, %get3A_75] : memref<128x8xf32, #tpu.memory_space<vmem>>, vector<128x8xf32>
    %get3A_77 = arith.constant 0 : index
    %get3A_78 = arith.constant 0 : index
    %get3A_79 = vector.load %arg9[%get3A_77, %get3A_78] : memref<1x8xf32, #tpu.memory_space<vmem>>, vector<1x8xf32>
    %dot_general3A = arith.constant dense<0.000000e+00> : vector<1024x128xf32>
    %dot_general3A_80 = tpu.matmul %reduce_sum3A_3, %get3A_61, %dot_general3A {dimension_numbers = #tpu.dot_dimension_numbers<[1], [0], [0], [1], [0, 0, 1, 1], [], []>, transpose_lhs_hint = false} : vector<1024x128xf32>, vector<128x128xf32>, vector<1024x128xf32> -> vector<1024x128xf32>
    %dot_general3A_81 = arith.constant dense<0.000000e+00> : vector<1024x128xf32>
    %dot_general3A_82 = tpu.matmul %convert_element_type3A_58, %get3A_64, %dot_general3A_81 {dimension_numbers = #tpu.dot_dimension_numbers<[1], [0], [0], [1], [0, 0, 1, 1], [], []>, transpose_lhs_hint = false} : vector<1024x128xf32>, vector<128x128xf32>, vector<1024x128xf32> -> vector<1024x128xf32>
    %add3A_83 = arith.addf %dot_general3A_80, %dot_general3A_82 : vector<1024x128xf32>
    %add3A_84 = vector.broadcast %get3A_67 : vector<1x128xf32> to vector<1024x128xf32>
    %add3A_85 = arith.addf %add3A_83, %add3A_84 : vector<1024x128xf32>
    %max3A = arith.constant 0.000000e+00 : f32
    %max3A_86 = vector.broadcast %max3A : f32 to vector<1024x128xf32>
    %max3A_87 = arith.maximumf %add3A_85, %max3A_86 : vector<1024x128xf32>
    %dot_general3A_88 = arith.constant dense<0.000000e+00> : vector<1024x128xf32>
    %dot_general3A_89 = tpu.matmul %max3A_87, %get3A_70, %dot_general3A_88 {dimension_numbers = #tpu.dot_dimension_numbers<[1], [0], [0], [1], [0, 0, 1, 1], [], []>, transpose_lhs_hint = false} : vector<1024x128xf32>, vector<128x128xf32>, vector<1024x128xf32> -> vector<1024x128xf32>
    %add3A_90 = vector.broadcast %get3A_73 : vector<1x128xf32> to vector<1024x128xf32>
    %add3A_91 = arith.addf %dot_general3A_89, %add3A_90 : vector<1024x128xf32>
    %max3A_92 = arith.constant 0.000000e+00 : f32
    %max3A_93 = vector.broadcast %max3A_92 : f32 to vector<1024x128xf32>
    %max3A_94 = arith.maximumf %add3A_91, %max3A_93 : vector<1024x128xf32>
    %dot_general3A_95 = arith.constant dense<0.000000e+00> : vector<1024x8xf32>
    %dot_general3A_96 = tpu.matmul %max3A_94, %get3A_76, %dot_general3A_95 {dimension_numbers = #tpu.dot_dimension_numbers<[1], [0], [0], [1], [0, 0, 1, 1], [], []>, transpose_lhs_hint = false} : vector<1024x128xf32>, vector<128x8xf32>, vector<1024x8xf32> -> vector<1024x8xf32>
    %add3A_97 = vector.broadcast %get3A_79 : vector<1x8xf32> to vector<1024x8xf32>
    %add3A_98 = arith.addf %dot_general3A_96, %add3A_97 : vector<1024x8xf32>
    %swap3A = arith.constant 0 : index
    %swap3A_99 = arith.constant 0 : index
    %swap3A_100 = vector.load %arg10[%swap3A, %swap3A_99] : memref<1024x8xf32, #tpu.memory_space<vmem>>, vector<1024x8xf32>
    tpu.vector_store %arg10[%swap3A, %swap3A_99], %add3A_98 {strides = array<i32>} : memref<1024x8xf32, #tpu.memory_space<vmem>>, vector<1024x8xf32>,
    return
  }
  func.func @transform_0(%arg0: i32) -> (i32, i32, i32) {
    %c0_i32 = arith.constant 0 : i32
    %c0_i32_0 = arith.constant 0 : i32
    %c0_i32_1 = arith.constant 0 : i32
    return %arg0, %c0_i32, %c0_i32_0 : i32, i32, i32
  }
  func.func @transform_1(%arg0: i32) -> (i32, i32) {
    %c0_i32 = arith.constant 0 : i32
    %c0_i32_0 = arith.constant 0 : i32
    return %arg0, %c0_i32 : i32, i32
  }
  func.func @transform_2(%arg0: i32) -> (i32, i32) {
    %c0_i32 = arith.constant 0 : i32
    %c0_i32_0 = arith.constant 0 : i32
    %c0_i32_1 = arith.constant 0 : i32
    return %c0_i32, %c0_i32_0 : i32, i32
  }
  func.func @transform_3(%arg0: i32) -> (i32, i32) {
    %c0_i32 = arith.constant 0 : i32
    %c0_i32_0 = arith.constant 0 : i32
    %c0_i32_1 = arith.constant 0 : i32
    return %c0_i32, %c0_i32_0 : i32, i32
  }
  func.func @transform_4(%arg0: i32) -> (i32, i32) {
    %c0_i32 = arith.constant 0 : i32
    %c0_i32_0 = arith.constant 0 : i32
    %c0_i32_1 = arith.constant 0 : i32
    return %c0_i32, %c0_i32_0 : i32, i32
  }
  func.func @transform_5(%arg0: i32) -> (i32, i32) {
    %c0_i32 = arith.constant 0 : i32
    %c0_i32_0 = arith.constant 0 : i32
    %c0_i32_1 = arith.constant 0 : i32
    return %c0_i32, %c0_i32_0 : i32, i32
  }
  func.func @transform_6(%arg0: i32) -> (i32, i32) {
    %c0_i32 = arith.constant 0 : i32
    %c0_i32_0 = arith.constant 0 : i32
    %c0_i32_1 = arith.constant 0 : i32
    return %c0_i32, %c0_i32_0 : i32, i32
  }
  func.func @transform_7(%arg0: i32) -> (i32, i32) {
    %c0_i32 = arith.constant 0 : i32
    %c0_i32_0 = arith.constant 0 : i32
    %c0_i32_1 = arith.constant 0 : i32
    return %c0_i32, %c0_i32_0 : i32, i32
  }
  func.func @transform_8(%arg0: i32) -> (i32, i32) {
    %c0_i32 = arith.constant 0 : i32
    %c0_i32_0 = arith.constant 0 : i32
    %c0_i32_1 = arith.constant 0 : i32
    return %c0_i32, %c0_i32_0 : i32, i32
  }
  func.func @transform_9(%arg0: i32) -> (i32, i32) {
    %c0_i32 = arith.constant 0 : i32
    %c0_i32_0 = arith.constant 0 : i32
    return %arg0, %c0_i32 : i32, i32
  }
}

module attributes {stable_mosaic.version = 14 : i64} {
  func.func @_presummed_body(%arg0: i32, %arg1: memref<1024x128xf32, #tpu.memory_space<vmem>>, %arg2: memref<1024x8xi32, #tpu.memory_space<vmem>>, %arg3: memref<128x128xf32, #tpu.memory_space<vmem>>, %arg4: memref<128x128xf32, #tpu.memory_space<vmem>>, %arg5: memref<1x128xf32, #tpu.memory_space<vmem>>, %arg6: memref<128x128xf32, #tpu.memory_space<vmem>>, %arg7: memref<1x128xf32, #tpu.memory_space<vmem>>, %arg8: memref<128x8xf32, #tpu.memory_space<vmem>>, %arg9: memref<1x8xf32, #tpu.memory_space<vmem>>, %arg10: memref<1024x8xf32, #tpu.memory_space<vmem>>) attributes {dimension_semantics = [#tpu.dimension_semantics<arbitrary>], iteration_bounds = array<i64: 1>, scalar_prefetch = 0 : i64, scratch_operands = 0 : i64, tpu.core_type = #tpu.core_type<tc>, window_params = [{pipeline_mode = #tpu.pipeline_mode<synchronous>, transform_indices = @transform_0, window_bounds = array<i64: 1024, 128>}, {transform_indices = @transform_1, window_bounds = array<i64: 1024, 8>}, {pipeline_mode = #tpu.pipeline_mode<synchronous>, transform_indices = @transform_2, window_bounds = array<i64: 128, 128>}, {pipeline_mode = #tpu.pipeline_mode<synchronous>, transform_indices = @transform_3, window_bounds = array<i64: 128, 128>}, {pipeline_mode = #tpu.pipeline_mode<synchronous>, transform_indices = @transform_4, window_bounds = array<i64: 1, 128>}, {pipeline_mode = #tpu.pipeline_mode<synchronous>, transform_indices = @transform_5, window_bounds = array<i64: 128, 128>}, {pipeline_mode = #tpu.pipeline_mode<synchronous>, transform_indices = @transform_6, window_bounds = array<i64: 1, 128>}, {pipeline_mode = #tpu.pipeline_mode<synchronous>, transform_indices = @transform_7, window_bounds = array<i64: 128, 8>}, {pipeline_mode = #tpu.pipeline_mode<synchronous>, transform_indices = @transform_8, window_bounds = array<i64: 1, 8>}, {pipeline_mode = #tpu.pipeline_mode<synchronous>, transform_indices = @transform_9, window_bounds = array<i64: 1024, 8>}]} {
    %get3A = arith.constant 0 : index
    %get3A_0 = arith.constant 0 : index
    %get3A_1 = vector.load %arg2[%get3A, %get3A_0] : memref<1024x8xi32, #tpu.memory_space<vmem>>, vector<1024x8xi32>
    %iota3A = tpu.iota {dimensions = array<i32: 1>} : vector<1024x128xi32>
    %jit3A = arith.constant 16 : i32
    %div3A = vector.broadcast %jit3A : i32 to vector<1024x128xi32>
    %div3A_2 = arith.divsi %iota3A, %div3A : vector<1024x128xi32>
    %sign3A = arith.constant 0 : i32
    %sign3A_3 = vector.broadcast %sign3A : i32 to vector<1024x128xi32>
    %sign3A_4 = arith.cmpi sgt, %iota3A, %sign3A_3 : vector<1024x128xi32>
    %sign3A_5 = arith.extui %sign3A_4 : vector<1024x128xi1> to vector<1024x128xi32>
    %sign3A_6 = arith.constant 0 : i32
    %sign3A_7 = vector.broadcast %sign3A_6 : i32 to vector<1024x128xi32>
    %sign3A_8 = arith.cmpi slt, %iota3A, %sign3A_7 : vector<1024x128xi32>
    %sign3A_9 = arith.extui %sign3A_8 : vector<1024x128xi1> to vector<1024x128xi32>
    %sign3A_10 = arith.subi %sign3A_5, %sign3A_9 : vector<1024x128xi32>
    %sign3A_11 = arith.constant 0 : i32
    %sign3A_12 = arith.cmpi sgt, %jit3A, %sign3A_11 : i32
    %sign3A_13 = arith.extui %sign3A_12 : i1 to i32
    %sign3A_14 = arith.constant 0 : i32
    %sign3A_15 = arith.cmpi slt, %jit3A, %sign3A_14 : i32
    %sign3A_16 = arith.extui %sign3A_15 : i1 to i32
    %sign3A_17 = arith.subi %sign3A_13, %sign3A_16 : i32
    %ne3A = vector.broadcast %sign3A_17 : i32 to vector<1024x128xi32>
    %ne3A_18 = arith.cmpi ne, %sign3A_10, %ne3A : vector<1024x128xi32>
    %rem3A = vector.broadcast %jit3A : i32 to vector<1024x128xi32>
    %rem3A_19 = arith.remsi %iota3A, %rem3A : vector<1024x128xi32>
    %ne3A_20 = arith.constant 0 : i32
    %ne3A_21 = vector.broadcast %ne3A_20 : i32 to vector<1024x128xi32>
    %ne3A_22 = arith.cmpi ne, %rem3A_19, %ne3A_21 : vector<1024x128xi32>
    %and3A = arith.andi %ne3A_18, %ne3A_22 : vector<1024x128xi1>
    %sub3A = arith.constant 1 : i32
    %sub3A_23 = vector.broadcast %sub3A : i32 to vector<1024x128xi32>
    %sub3A_24 = arith.subi %div3A_2, %sub3A_23 : vector<1024x128xi32>
    %select_n3A = arith.select %and3A, %sub3A_24, %div3A_2 : vector<1024x128xi1>, vector<1024x128xi32>
    %lt3A = arith.constant 0 : i32
    %lt3A_25 = vector.broadcast %lt3A : i32 to vector<1024x128xi32>
    %lt3A_26 = arith.cmpi slt, %select_n3A, %lt3A_25 : vector<1024x128xi32>
    %add3A = arith.constant 8 : i32
    %add3A_27 = vector.broadcast %add3A : i32 to vector<1024x128xi32>
    %add3A_28 = arith.addi %select_n3A, %add3A_27 : vector<1024x128xi32>
    %select_n3A_29 = arith.select %lt3A_26, %add3A_28, %select_n3A : vector<1024x128xi1>, vector<1024x128xi32>
    %reshape3A = vector.shape_cast %select_n3A_29 : vector<1024x128xi32> to vector<1024x128x1xi32>
    %gather3A = vector.shape_cast %reshape3A : vector<1024x128x1xi32> to vector<1024x128xi32>
    %gather3A_30 = tpu.dynamic_gather %get3A_1[%gather3A] in [1] : vector<1024x8xi32>, vector<1024x128xi32> -> vector<1024x128xi32>
    %jit3A_31 = arith.constant 16 : i32
    %eq3A = arith.constant 0 : i32
    %eq3A_32 = arith.cmpi eq, %jit3A_31, %eq3A : i32
    %jit3A_33 = arith.constant 1 : i32
    %select_n3A_34 = arith.select %eq3A_32, %jit3A_33, %jit3A_31 : i32
    %rem3A_35 = vector.broadcast %select_n3A_34 : i32 to vector<1024x128xi32>
    %rem3A_36 = arith.remsi %iota3A, %rem3A_35 : vector<1024x128xi32>
    %ne3A_37 = arith.constant 0 : i32
    %ne3A_38 = vector.broadcast %ne3A_37 : i32 to vector<1024x128xi32>
    %ne3A_39 = arith.cmpi ne, %rem3A_36, %ne3A_38 : vector<1024x128xi32>
    %lt3A_40 = arith.constant 0 : i32
    %lt3A_41 = vector.broadcast %lt3A_40 : i32 to vector<1024x128xi32>
    %lt3A_42 = arith.cmpi slt, %rem3A_36, %lt3A_41 : vector<1024x128xi32>
    %lt3A_43 = arith.constant 0 : i32
    %lt3A_44 = arith.cmpi slt, %select_n3A_34, %lt3A_43 : i32
    %ne3A_45 = vector.broadcast %lt3A_44 : i1 to vector<1024x128xi1>
    %ne3A_46 = vector.broadcast %ne3A_45 : vector<1024x128xi1> to vector<1024x128xi1>
    %ne3A_47 = arith.xori %lt3A_42, %ne3A_46 : vector<1024x128xi1>
    %and3A_48 = arith.andi %ne3A_47, %ne3A_39 : vector<1024x128xi1>
    %add3A_49 = vector.broadcast %select_n3A_34 : i32 to vector<1024x128xi32>
    %add3A_50 = arith.addi %rem3A_36, %add3A_49 : vector<1024x128xi32>
    %select_n3A_51 = arith.select %and3A_48, %add3A_50, %rem3A_36 : vector<1024x128xi1>, vector<1024x128xi32>
    %eq3A_52 = arith.cmpi eq, %select_n3A_51, %gather3A_30 : vector<1024x128xi32>
    %convert_element_type3A = arith.extui %eq3A_52 : vector<1024x128xi1> to vector<1024x128xi32>
    %convert_element_type3A_53 = arith.sitofp %convert_element_type3A : vector<1024x128xi32> to vector<1024x128xf32>
    %get3A_54 = arith.constant 0 : index
    %get3A_55 = arith.constant 0 : index
    %get3A_56 = vector.load %arg1[%get3A_54, %get3A_55] : memref<1024x128xf32, #tpu.memory_space<vmem>>, vector<1024x128xf32>
    %get3A_57 = arith.constant 0 : index
    %get3A_58 = arith.constant 0 : index
    %get3A_59 = vector.load %arg3[%get3A_57, %get3A_58] : memref<128x128xf32, #tpu.memory_space<vmem>>, vector<128x128xf32>
    %get3A_60 = arith.constant 0 : index
    %get3A_61 = arith.constant 0 : index
    %get3A_62 = vector.load %arg4[%get3A_60, %get3A_61] : memref<128x128xf32, #tpu.memory_space<vmem>>, vector<128x128xf32>
    %get3A_63 = arith.constant 0 : index
    %get3A_64 = arith.constant 0 : index
    %get3A_65 = vector.load %arg5[%get3A_63, %get3A_64] : memref<1x128xf32, #tpu.memory_space<vmem>>, vector<1x128xf32>
    %get3A_66 = arith.constant 0 : index
    %get3A_67 = arith.constant 0 : index
    %get3A_68 = vector.load %arg6[%get3A_66, %get3A_67] : memref<128x128xf32, #tpu.memory_space<vmem>>, vector<128x128xf32>
    %get3A_69 = arith.constant 0 : index
    %get3A_70 = arith.constant 0 : index
    %get3A_71 = vector.load %arg7[%get3A_69, %get3A_70] : memref<1x128xf32, #tpu.memory_space<vmem>>, vector<1x128xf32>
    %get3A_72 = arith.constant 0 : index
    %get3A_73 = arith.constant 0 : index
    %get3A_74 = vector.load %arg8[%get3A_72, %get3A_73] : memref<128x8xf32, #tpu.memory_space<vmem>>, vector<128x8xf32>
    %get3A_75 = arith.constant 0 : index
    %get3A_76 = arith.constant 0 : index
    %get3A_77 = vector.load %arg9[%get3A_75, %get3A_76] : memref<1x8xf32, #tpu.memory_space<vmem>>, vector<1x8xf32>
    %dot_general3A = arith.constant dense<0.000000e+00> : vector<1024x128xf32>
    %dot_general3A_78 = tpu.matmul %get3A_56, %get3A_59, %dot_general3A {dimension_numbers = #tpu.dot_dimension_numbers<[1], [0], [0], [1], [0, 0, 1, 1], [], []>, transpose_lhs_hint = false} : vector<1024x128xf32>, vector<128x128xf32>, vector<1024x128xf32> -> vector<1024x128xf32>
    %dot_general3A_79 = arith.constant dense<0.000000e+00> : vector<1024x128xf32>
    %dot_general3A_80 = tpu.matmul %convert_element_type3A_53, %get3A_62, %dot_general3A_79 {dimension_numbers = #tpu.dot_dimension_numbers<[1], [0], [0], [1], [0, 0, 1, 1], [], []>, transpose_lhs_hint = false} : vector<1024x128xf32>, vector<128x128xf32>, vector<1024x128xf32> -> vector<1024x128xf32>
    %add3A_81 = arith.addf %dot_general3A_78, %dot_general3A_80 : vector<1024x128xf32>
    %add3A_82 = vector.broadcast %get3A_65 : vector<1x128xf32> to vector<1024x128xf32>
    %add3A_83 = arith.addf %add3A_81, %add3A_82 : vector<1024x128xf32>
    %max3A = arith.constant 0.000000e+00 : f32
    %max3A_84 = vector.broadcast %max3A : f32 to vector<1024x128xf32>
    %max3A_85 = arith.maximumf %add3A_83, %max3A_84 : vector<1024x128xf32>
    %dot_general3A_86 = arith.constant dense<0.000000e+00> : vector<1024x128xf32>
    %dot_general3A_87 = tpu.matmul %max3A_85, %get3A_68, %dot_general3A_86 {dimension_numbers = #tpu.dot_dimension_numbers<[1], [0], [0], [1], [0, 0, 1, 1], [], []>, transpose_lhs_hint = false} : vector<1024x128xf32>, vector<128x128xf32>, vector<1024x128xf32> -> vector<1024x128xf32>
    %add3A_88 = vector.broadcast %get3A_71 : vector<1x128xf32> to vector<1024x128xf32>
    %add3A_89 = arith.addf %dot_general3A_87, %add3A_88 : vector<1024x128xf32>
    %max3A_90 = arith.constant 0.000000e+00 : f32
    %max3A_91 = vector.broadcast %max3A_90 : f32 to vector<1024x128xf32>
    %max3A_92 = arith.maximumf %add3A_89, %max3A_91 : vector<1024x128xf32>
    %dot_general3A_93 = arith.constant dense<0.000000e+00> : vector<1024x8xf32>
    %dot_general3A_94 = tpu.matmul %max3A_92, %get3A_74, %dot_general3A_93 {dimension_numbers = #tpu.dot_dimension_numbers<[1], [0], [0], [1], [0, 0, 1, 1], [], []>, transpose_lhs_hint = false} : vector<1024x128xf32>, vector<128x8xf32>, vector<1024x8xf32> -> vector<1024x8xf32>
    %add3A_95 = vector.broadcast %get3A_77 : vector<1x8xf32> to vector<1024x8xf32>
    %add3A_96 = arith.addf %dot_general3A_94, %add3A_95 : vector<1024x8xf32>
    %swap3A = arith.constant 0 : index
    %swap3A_97 = arith.constant 0 : index
    %swap3A_98 = vector.load %arg10[%swap3A, %swap3A_97] : memref<1024x8xf32, #tpu.memory_space<vmem>>, vector<1024x8xf32>
    tpu.vector_store %arg10[%swap3A, %swap3A_97], %add3A_96 {strides = array<i32>} : memref<1024x8xf32, #tpu.memory_space<vmem>>, vector<1024x8xf32>,
    return
  }
  func.func @transform_0(%arg0: i32) -> (i32, i32) {
    %c0_i32 = arith.constant 0 : i32
    %c0_i32_0 = arith.constant 0 : i32
    %c0_i32_1 = arith.constant 0 : i32
    return %c0_i32, %c0_i32_0 : i32, i32
  }
  func.func @transform_1(%arg0: i32) -> (i32, i32) {
    %c3_i32 = arith.constant 3 : i32
    %c0_i32 = arith.constant 0 : i32
    %c0_i32_0 = arith.constant 0 : i32
    return %c3_i32, %c0_i32 : i32, i32
  }
  func.func @transform_2(%arg0: i32) -> (i32, i32) {
    %c0_i32 = arith.constant 0 : i32
    %c0_i32_0 = arith.constant 0 : i32
    %c0_i32_1 = arith.constant 0 : i32
    return %c0_i32, %c0_i32_0 : i32, i32
  }
  func.func @transform_3(%arg0: i32) -> (i32, i32) {
    %c0_i32 = arith.constant 0 : i32
    %c0_i32_0 = arith.constant 0 : i32
    %c0_i32_1 = arith.constant 0 : i32
    return %c0_i32, %c0_i32_0 : i32, i32
  }
  func.func @transform_4(%arg0: i32) -> (i32, i32) {
    %c0_i32 = arith.constant 0 : i32
    %c0_i32_0 = arith.constant 0 : i32
    %c0_i32_1 = arith.constant 0 : i32
    return %c0_i32, %c0_i32_0 : i32, i32
  }
  func.func @transform_5(%arg0: i32) -> (i32, i32) {
    %c0_i32 = arith.constant 0 : i32
    %c0_i32_0 = arith.constant 0 : i32
    %c0_i32_1 = arith.constant 0 : i32
    return %c0_i32, %c0_i32_0 : i32, i32
  }
  func.func @transform_6(%arg0: i32) -> (i32, i32) {
    %c0_i32 = arith.constant 0 : i32
    %c0_i32_0 = arith.constant 0 : i32
    %c0_i32_1 = arith.constant 0 : i32
    return %c0_i32, %c0_i32_0 : i32, i32
  }
  func.func @transform_7(%arg0: i32) -> (i32, i32) {
    %c0_i32 = arith.constant 0 : i32
    %c0_i32_0 = arith.constant 0 : i32
    %c0_i32_1 = arith.constant 0 : i32
    return %c0_i32, %c0_i32_0 : i32, i32
  }
  func.func @transform_8(%arg0: i32) -> (i32, i32) {
    %c0_i32 = arith.constant 0 : i32
    %c0_i32_0 = arith.constant 0 : i32
    %c0_i32_1 = arith.constant 0 : i32
    return %c0_i32, %c0_i32_0 : i32, i32
  }
  func.func @transform_9(%arg0: i32) -> (i32, i32) {
    %c0_i32 = arith.constant 0 : i32
    %c0_i32_0 = arith.constant 0 : i32
    %c0_i32_1 = arith.constant 0 : i32
    return %c0_i32, %c0_i32_0 : i32, i32
  }
}

</mosaic_0001>

<sc_bundles>
// kernel: kernel.5.cloned.1.call-start
scs
__scs_entry_jumppad:
0x0: {  	(pc) =	sbr.rel $0x88, $3  }
0x1: {  	(tag) =	ssettag $0x0;
	lr =	simm.s32 $0x1  }
0x2: {  	[smem:$0x3F99] =	sst lr;
	_ =	strace $0xD0000000  }
0x3: {  	_ = 	snop  }
0x4: {  	_ = 	snop  }
0x5: {  	_ = 	snop  }
0x6: {  	_ = 	snop  }
0x7: {  	_ = 	snop  }
__scs_overlays_trampoline_lowered:
0x8: {  	[smem:$0x3FA8] =	sst s0  }
0x9: {  	[smem:$0x3FA9] =	sst s1  }
0xa: {  	[smem:$0x3FAA] =	sst s2  }
0xb: {  	[smem:$0x3FAB] =	sst s3  }
0xc: {  	[smem:$0x3FAC] =	sst s4  }
0xd: {  	[smem:$0x3FAD] =	sst s5  }
0xe: {  	[smem:$0x3FAE] =	sst s6  }
0xf: {  	[smem:$0x3FAF] =	sst s7  }
0x10: {  	[smem:$0x3FB0] =	sst s8  }
0x11: {  	[smem:$0x3FB1] =	sst s9;
	s0 =	simm.s32 @!p0 $0x0  }
0x12: {  	s1 =	sld [smem:$0x3F97];
	s0 =	simm.s32 @p0 $0x1  }
0x13: {  	[smem:$0x3FB2] =	sst s0;
	s0 =	simm.s32 @!p1 $0x0  }
0x14: {  	s2 =	sld [smem:$0x3F96];
	s0 =	simm.s32 @p1 $0x1  }
0x15: {  	[smem:$0x3FB3] =	sst s0;
	s0 =	simm.s32 @!p2 $0x0  }
0x16: {  	s3 =	sld [smem:$0x3FDB];
	s0 =	simm.s32 @p2 $0x1  }
0x17: {  	s4 =	simm.s32 $0x1BF5;
	[smem:$0x3FB5] =	sst s0  }
0x18: {  	s0 =	sld [smem:$0x3F98];
	_ =	swait.ge [sflag:s4], $0x0  }
0x19: {  	s7 =	sld [smem:$0x3F99]  }
0x1a: {  	s8 =	sadd.s32 $0xFFFFE003, lr  }
0x1b: {  	s9 =	sadd.s32 $0xFFFFFEF7, lr;
	s5 =	simm.s32 $0xFFFFFFFF;
	p2 =	slt.u32 s8, $0xFFFFF086  }
0x1c: {  	p1 =	slt.u32 s9, $0xF7A;
	s5 =	simm.s32 @!p2 $0x0  }
0x1d: {  	s5 =	simm.s32 @p1 $0x1;
	p0 =	seq.s32 s7, s2  }
0x1e: {  	s7 =	smul.u32 @!p0 $0xF7A, s2;
	p2 =	seq.s32 @!p0 s5, $0x0  }
0x1f: {  	s9 =	smul.u32 $0xF7A, s1;
	s8 =	simm.s32 @!p0 $0x1BF5;
	p2 =	por !p2, p0  }
0x20: {  	[sflag:s8] =	ssyncset.s32 @!p0 $0xFFFFF086;
	s6 =	sadd.s32 @!p0 s3, s7;
	s7 =	simm.s32 @!p0 $0x108  }
0x21: {  	s3 =	sadd.s32 s3, s9;
	s6 =	sadd.s32 @!p0 $0x88, s6;
	s7 =	simm.s32 @p2 $0x1082  }
0x22: {  	[simem:s7], [sflag:s8] =	dma.local @!p0 [hbm:s6], $0xF7A  }
0x23: {  	s9 =	sor.u32 $0xD0000000, s2;
	s6 =	simm.s32 $0x108;
	_ =	swait.ge @!p0 [sflag:s8], $0x0  }
0x24: {  	s3 =	sadd.s32 $0x88, s3;
	s6 =	simm.s32 @!p1 $0x1082;
	[sflag:s4] =	ssyncset.s32 $0xFFFFF086  }
0x25: {  	[simem:s6], [sflag:s4] =	dma.local [hbm:s3], $0xF7A  }
0x26: {  	[smem:$0x3F99] =	sst s1;
	(tag) =	ssettag s2;
	_ =	strace s9  }
0x27: {  	s1 =	sld [smem:$0x3FA9]  }
0x28: {  	s2 =	sld [smem:$0x3FAA]  }
0x29: {  	s4 =	sld [smem:$0x3FAC]  }
0x2a: {  	p0 =	seq.s32 s5, $0x0;
	s5 =	sld [smem:$0x3FAD]  }
0x2b: {  	s6 =	sld [smem:$0x3FAE]  }
0x2c: {  	s7 =	sld [smem:$0x3FAF]  }
0x2d: {  	s3 =	simm.s32 $0x108;
	s8 =	sld [smem:$0x3FB0]  }
0x2e: {  	s3 =	simm.s32 @!p0 $0x1082;
	s9 =	sld [smem:$0x3FB1]  }
0x2f: {  	lr =	sadd.s32 s0, s3;
	s0 =	sld [smem:$0x3FA8]  }
0x30: {  	s3 =	sld [smem:$0x3FAB]  }
0x31: {  	[smem:$0x3FB4] =	sst s10  }
0x32: {  	s10 =	sld [smem:$0x3FB2];
	_ =	sdelay $0x3  }
0x33: {  	p0 =	seq.s32 s10, $0x1;
	s10 =	sld [smem:$0x3FB4];
	_ =	sdelay $0x3  }
0x34: {  	[smem:$0x3FB4] =	sst s10  }
0x35: {  	s10 =	sld [smem:$0x3FB3];
	_ =	sdelay $0x3  }
0x36: {  	p1 =	seq.s32 s10, $0x1;
	s10 =	sld [smem:$0x3FB4];
	_ =	sdelay $0x3  }
0x37: {  	[smem:$0x3FB4] =	sst s10  }
0x38: {  	s10 =	sld [smem:$0x3FB5]  }
0x39: {  	_ = 	snop;
	(pc) =	sbr.ind lr, $3  }
0x3a: {  	_ = 	snop  }
0x3b: {  	_ = 	snop  }
0x3c: {  	p2 =	seq.s32 s10, $0x1;
	s10 =	sld [smem:$0x3FB4]  }
0x3d: {  	_ =	shalt  }
0x3e: {  	_ =	shalt  }
0x3f: {  	_ =	shalt  }
0x40: {  	_ =	shalt  }
0x41: {  	_ =	shalt  }
0x42: {  	_ =	shalt  }
0x43: {  	_ =	shalt  }
0x44: {  	_ =	shalt  }
0x45: {  	_ =	shalt  }
0x46: {  	_ =	shalt  }
0x47: {  	_ =	shalt  }
0x48: {  	_ =	shalt  }
0x49: {  	_ =	shalt  }
0x4a: {  	_ =	shalt  }
0x4b: {  	_ =	shalt  }
0x4c: {  	_ =	shalt  }
0x4d: {  	_ =	shalt  }
0x4e: {  	_ =	shalt  }
0x4f: {  	_ =	shalt  }
0x50: {  	_ =	shalt  }
0x51: {  	_ =	shalt  }
0x52: {  	_ =	shalt  }
0x53: {  	_ =	shalt  }
0x54: {  	_ =	shalt  }
0x55: {  	_ =	shalt  }
0x56: {  	_ =	shalt  }
0x57: {  	_ =	shalt  }
0x58: {  	_ =	shalt  }
0x59: {  	_ =	shalt  }
0x5a: {  	_ =	shalt  }
0x5b: {  	_ =	shalt  }
0x5c: {  	_ =	shalt  }
0x5d: {  	_ =	shalt  }
0x5e: {  	_ =	shalt  }
0x5f: {  	_ =	shalt  }
0x60: {  	_ =	shalt  }
0x61: {  	_ =	shalt  }
0x62: {  	_ =	shalt  }
0x63: {  	_ =	shalt  }
0x64: {  	_ =	shalt  }
0x65: {  	_ =	shalt  }
0x66: {  	_ =	shalt  }
0x67: {  	_ =	shalt  }
0x68: {  	_ =	shalt  }
0x69: {  	_ =	shalt  }
0x6a: {  	_ =	shalt  }
0x6b: {  	_ =	shalt  }
0x6c: {  	_ =	shalt  }
0x6d: {  	_ =	shalt  }
0x6e: {  	_ =	shalt  }
0x6f: {  	_ =	shalt  }
0x70: {  	_ =	shalt  }
0x71: {  	_ =	shalt  }
0x72: {  	_ =	shalt  }
0x73: {  	_ =	shalt  }
0x74: {  	_ =	shalt  }
0x75: {  	_ =	shalt  }
0x76: {  	_ =	shalt  }
0x77: {  	_ =	shalt  }
0x78: {  	_ =	shalt  }
0x79: {  	_ =	shalt  }
0x7a: {  	_ =	shalt  }
0x7b: {  	_ =	shalt  }
0x7c: {  	_ =	shalt  }
0x7d: {  	_ =	shalt  }
0x7e: {  	_ =	shalt  }
0x7f: {  	_ =	shalt  }
0x80: {  	_ =	shalt  }
0x81: {  	_ =	shalt  }
0x82: {  	_ =	shalt  }
0x83: {  	_ =	shalt  }
0x84: {  	_ =	shalt  }
0x85: {  	_ =	shalt  }
0x86: {  	_ =	shalt  }
0x87: {  	_ =	shalt  }
.Lfunc_end0:
.L_simem_size_0:
called_computation_lowered:
.L_overlay_start_0:
0x88: {  	s2 =	sld [smem:$0x3FD9]  }
0x89: {  	s3 =	sld [smem:$0x3FFE];
	_ =	sdelay $0x1  }
0x8a: {  	s1 =	srdreg.scid  }
0x8b: {  	s0 =	sand.u32 $0x1, s1  }
0x8c: {  	s17 =	sshll.u32 s0, $0xA;
	s2 =	sadd.s32 s3, s2  }
0x8d: {  	s2 =	sadd.s32 s2, s17  }
0x8e: {  	[smem:$0x3FC0] =	sst s2  }
0x8f: {  	_ = 	snop  }
0x90: {  	s2 =	sld [smem:$0x3FC9];
	(tm) =	ssettm $0x1  }
0x91: {  	s18 =	sld [smem:$0x3FFB];
	_ =	sdelay $0x3  }
0x92: {  	_ =	strace s18  }
0x93: {  	s3 =	sld [smem:$0x3FFC];
	_ =	sdelay $0x3  }
0x94: {  	_ =	strace s3  }
0x95: {  	s3 =	sld [smem:$0x3FFD];
	_ =	sdelay $0x3  }
0x96: {  	_ =	strace s3  }
0x97: {  	_ =	strace $0x8FFFFFFF  }
0x98: {  	s19 =	sld [smem:$0x3FDB];
	_ =	sdelay $0x1  }
0x99: {  	s4 =	simm.s32 $_scs_section_size  }
0x9a: {  	s5 =	simm.s32 $_size__tile_overlayer_lowered;
	s6 =	simm.s32 $_tile_overlayer_lowered  }
0x9b: {  	s22 =	simm.s32 $0x1BFF;
	s21 =	sshll.u32 s6, $0x1;
	s3 =	sadd.s32 s4, s19  }
0x9c: {  	s7 =	simm.s32 $0x0;
	s20 =	sshll.u32 s5, $0x1;
	s5 =	sadd.s32 s21, s3  }
0x9d: {  	[timem:s7], [sflag:s22] =	dma.local [hbm:s5], s20  }
0x9e: {  	_ =	swait.ge [sflag:s22], s20  }
0x9f: {  	s4 =	ssub.s32 $0x0, s20;
	[sflag:s22] =	ssyncset.done $0x0  }
0xa0: {  	[sflag:s22] =	ssyncadd.s32 s4;
	_ =	sdelay $0x1  }
0xa1: {  	s23 =	simm.s32 $0x1B8B  }
0xa2: {  	_ =	swait.ge [sflag:s23], $0x1  }
0xa3: {  	[sflag:s23] =	ssyncset.done $0x0  }
0xa4: {  	s25 =	simm.s32 $0x1B8E;
	s24 =	sld [smem:$0x3FFE];
	[sflag:s23] =	ssyncadd.s32 $0xFFFFFFFF  }
0xa5: {  	s26 =	simm.s32 $execute0_lowered;
	[smem:$0x3FD2] =	sst s25  }
0xa6: {  	s5 =	sshll.u32 s26, $0x1;
	_ =	strace $0x80000046;
	[dreg:$0x1] =	wrdreg $0xFFFFFFFF  }
0xa7: {  	s28 =	simm.s32 $_size_execute0_lowered;
	s3 =	sadd.s32 s3, s5;
	[dreg:$0x0] =	wrdreg $0x0  }
0xa8: {  	s5 =	sshll.u32 s28, $0x1;
	[dreg:$0x2] =	wrdreg s3  }
0xa9: {  	[dreg:$0x3] =	wrdreg s5  }
0xaa: {  	[dreg:$0x4] =	wrdreg $0xC0  }
0xab: {  	_ =	task [dreg:s7], $0x5FFFF  }
0xac: {  	[dreg:$0x1] =	wrdreg $0xFFFFFFFF  }
0xad: {  	[dreg:$0x0] =	wrdreg $0x60  }
0xae: {  	[dreg:$0x2] =	wrdreg s2  }
0xaf: {  	[dreg:$0x3] =	wrdreg s24  }
0xb0: {  	[dreg:$0x4] =	wrdreg $0x9  }
0xb1: {  	_ =	task.clear_ibuf [dreg:s7], $0x5FFFF;
	_ =	strace $0x90000046  }
0xb2: {  	s29 =	simm.s32 $0x9;
	_ =	strace $0x80000048  }
0xb3: {  	_ =	swait.ge [sflag:s29], $0x1  }
0xb4: {  	[sflag:s29] =	ssyncadd.s32 $0xFFFFFFFF  }
0xb5: {  	_ =	strace $0x90000048  }
0xb6: {  	_ =	sfence  }
0xb7: {  	s30 =	sld [smem:$0x0];
	_ =	sdelay $0x2  }
0xb8: {  	s31 =	sshll.u32 s1, $0xD;
	s1 =	sshrl.u32 s1, $0x2  }
0xb9: {  	s3 =	sand.u32 $0x4000, s31;
	s1 =	sadd.s32 s1, s30  }
0xba: {  	s0 =	sor.u32 s3, s0;
	s1 =	sshll.u32 s1, $0x11  }
0xbb: {  	s0 =	sor.u32 s1, s0  }
0xbc: {  	s0 =	sadd.s32 $0x8F2B, s0  }
0xbd: {  	[sflag:s0] =	ssyncadd.remote.s32 $0x1  }
0xbe: {  	_ =	sfence.sel $0xFFFF  }
0xbf: {  	[dreg:$0x0] =	wrdreg $0xFFFFFFFF;
	(pc) =	sbr.abs _section_cstart, $3  }
0xc0: {  	[dreg:$0x1] =	wrdreg $0xFFFFFFFF  }
0xc1: {  	_ =	task.clear_ibuf [dreg:s7], $0x2FFFF;
	_ =	strace $0x9FFFFFFF  }
0xc2: {  	(tm) =	ssettm $0x7FFFFFFF  }
0xc3: {  	_ =	shalt  }
tec
execute0_lowered:
.L_overlay_start_1:
0x0: {  	(tag) =	ssettag $0x1  }
0x1: {  	s3 =	rddreg [dreg:$0x0]  }
0x2: {  	s4 =	rddreg [dreg:$0x1];
	s2 =	srdreg.scid  }
0x3: {  	s0 =	rddreg [dreg:$0x2];
	s1 =	stileid.u32  }
0x4: {  	s9 =	simm.s32 $0x0;
	s5 =	sand.u32 $0x1, s2;
	s2 =	simm.s32 $0x0  }
0x5: {  	s6 =	sshll.u32 s1, $0x6;
	s7 =	sshll.u32 s5, $0x5;
	[smem:$0x7FF] =	sst s2  }
0x6: {  	s5 =	ssub.s32 $0x2, s5;
	s6 =	sor.u32 s7, s6;
	_ =	strace $0x80000047  }
0x7: {  	s8 =	sshrl.u32 s5, $0x1;
	s7 =	sshll.u32 s6, $0x7;
	s6 =	sshll.u32 s6, $0x4  }
0x8: {  	s5 =	ssub.s32 s5, s8;
	s8 =	simm.s32 $0x2;
	s3 =	sadd.s32 s7, s3  }
0x9: {  	s4 =	sadd.s32 s6, s4;
	s5 =	smax.u32 s5, $0x1;
	s6 =	simm.s32 $0x1  }
0xa: {  	s7 =	simm.s32 $0x10000;
	s3 =	sadd.s32 $0x60000, s3;
	s4 =	sadd.s32 $0x2200, s4  }
.LBB2_1:
0xb: {  	[tilespmem:s2], [sflag:$0x1] =	stream.linear.gather [hbm4b:s3+s2], $0x8000, $0x38;
	[tilespmem:$0x12000] =	vst v63  }
0xc: {  	_ =	swait.ge [sflag:s6], $0x8000  }
0xd: {  	[sflag:s6] =	ssyncset.done $0x0  }
0xe: {  	s10 =	simm.s32 $0x200;
	[sflag:s6] =	ssyncadd.s32 $0xFFFF8000  }
0xf: {  	v0 =	vld [tilespmem:s10+$0xFFFFFE80]  }
0x10: {  	v1 =	vld [tilespmem:s10+$0xFFFFFE00];
	_ =	sdelay $0x1  }
0x11: {  	v2 =	vld [tilespmem:s10+$0xFFFFFF00];
	_ =	sdelay $0x1  }
0x12: {  	v3 =	vld [tilespmem:s10+$0xFFFFFF80]  }
0x13: {  	v0 =	vadd.f32 v0, v1  }
0x14: {  	v1 =	vld [tilespmem:s10+$0x0]  }
0x15: {  	v0 =	vadd.f32 v2, v0  }
0x16: {  	v2 =	vld [tilespmem:s10+$0x80]  }
0x17: {  	v0 =	vadd.f32 v3, v0  }
0x18: {  	v3 =	vld [tilespmem:s10+$0x100]  }
0x19: {  	v0 =	vadd.f32 v1, v0  }
0x1a: {  	v1 =	vld [tilespmem:s10+$0x180]  }
0x1b: {  	v0 =	vadd.f32 v2, v0;
	_ =	sdelay $0x1  }
0x1c: {  	v0 =	vadd.f32 v3, v0;
	_ =	sdelay $0x1  }
0x1d: {  	v0 =	vadd.f32 v1, v0  }
0x1e: {  	s11 =	simm.s32 $0x0  }
0x1f: {  	[tilespmem:s11+$0x10000] =	vst v0  }
0x20: {  	v0 =	vld [tilespmem:s10+$0xFFFFFE10]  }
0x21: {  	v1 =	vld [tilespmem:s10+$0xFFFFFE90];
	_ =	sdelay $0x1  }
0x22: {  	v2 =	vld [tilespmem:s10+$0xFFFFFF10];
	_ =	sdelay $0x1  }
0x23: {  	v3 =	vld [tilespmem:s10+$0xFFFFFF90]  }
0x24: {  	v0 =	vadd.f32 v1, v0  }
0x25: {  	v1 =	vld [tilespmem:s10+$0x10]  }
0x26: {  	v0 =	vadd.f32 v2, v0  }
0x27: {  	v2 =	vld [tilespmem:s10+$0x90]  }
0x28: {  	v0 =	vadd.f32 v3, v0  }
0x29: {  	v3 =	vld [tilespmem:s10+$0x110]  }
0x2a: {  	v0 =	vadd.f32 v1, v0  }
0x2b: {  	v1 =	vld [tilespmem:s10+$0x190]  }
0x2c: {  	v0 =	vadd.f32 v2, v0;
	_ =	sdelay $0x1  }
0x2d: {  	v0 =	vadd.f32 v3, v0;
	_ =	sdelay $0x1  }
0x2e: {  	v0 =	vadd.f32 v1, v0;
	_ =	sdelay $0x1  }
0x2f: {  	[tilespmem:s11+$0x10010] =	vst v0  }
0x30: {  	v0 =	vld [tilespmem:s10+$0xFFFFFE20]  }
0x31: {  	v1 =	vld [tilespmem:s10+$0xFFFFFEA0];
	_ =	sdelay $0x1  }
0x32: {  	v2 =	vld [tilespmem:s10+$0xFFFFFF20];
	_ =	sdelay $0x1  }
0x33: {  	v3 =	vld [tilespmem:s10+$0xFFFFFFA0]  }
0x34: {  	v0 =	vadd.f32 v1, v0  }
0x35: {  	v1 =	vld [tilespmem:s10+$0x20]  }
0x36: {  	v0 =	vadd.f32 v2, v0  }
0x37: {  	v2 =	vld [tilespmem:s10+$0xA0]  }
0x38: {  	v0 =	vadd.f32 v3, v0  }
0x39: {  	v3 =	vld [tilespmem:s10+$0x120]  }
0x3a: {  	v0 =	vadd.f32 v1, v0  }
0x3b: {  	v1 =	vld [tilespmem:s10+$0x1A0]  }
0x3c: {  	v0 =	vadd.f32 v2, v0;
	_ =	sdelay $0x1  }
0x3d: {  	v0 =	vadd.f32 v3, v0;
	_ =	sdelay $0x1  }
0x3e: {  	v0 =	vadd.f32 v1, v0;
	_ =	sdelay $0x1  }
0x3f: {  	[tilespmem:s11+$0x10020] =	vst v0  }
0x40: {  	v0 =	vld [tilespmem:s10+$0xFFFFFE30]  }
0x41: {  	v1 =	vld [tilespmem:s10+$0xFFFFFEB0];
	_ =	sdelay $0x1  }
0x42: {  	v2 =	vld [tilespmem:s10+$0xFFFFFF30];
	_ =	sdelay $0x1  }
0x43: {  	v3 =	vld [tilespmem:s10+$0xFFFFFFB0]  }
0x44: {  	v0 =	vadd.f32 v1, v0  }
0x45: {  	v1 =	vld [tilespmem:s10+$0x30]  }
0x46: {  	v0 =	vadd.f32 v2, v0  }
0x47: {  	v2 =	vld [tilespmem:s10+$0xB0]  }
0x48: {  	v0 =	vadd.f32 v3, v0  }
0x49: {  	v3 =	vld [tilespmem:s10+$0x130]  }
0x4a: {  	v0 =	vadd.f32 v1, v0  }
0x4b: {  	v1 =	vld [tilespmem:s10+$0x1B0]  }
0x4c: {  	v0 =	vadd.f32 v2, v0;
	_ =	sdelay $0x1  }
0x4d: {  	v0 =	vadd.f32 v3, v0;
	_ =	sdelay $0x1  }
0x4e: {  	v0 =	vadd.f32 v1, v0;
	_ =	sdelay $0x1  }
0x4f: {  	[tilespmem:s11+$0x10030] =	vst v0  }
0x50: {  	v0 =	vld [tilespmem:s10+$0xFFFFFE40]  }
0x51: {  	v1 =	vld [tilespmem:s10+$0xFFFFFEC0];
	_ =	sdelay $0x1  }
0x52: {  	v2 =	vld [tilespmem:s10+$0xFFFFFF40];
	_ =	sdelay $0x1  }
0x53: {  	v3 =	vld [tilespmem:s10+$0xFFFFFFC0]  }
0x54: {  	v0 =	vadd.f32 v1, v0  }
0x55: {  	v1 =	vld [tilespmem:s10+$0x40]  }
0x56: {  	v0 =	vadd.f32 v2, v0  }
0x57: {  	v2 =	vld [tilespmem:s10+$0xC0]  }
0x58: {  	v0 =	vadd.f32 v3, v0  }
0x59: {  	v3 =	vld [tilespmem:s10+$0x140]  }
0x5a: {  	v0 =	vadd.f32 v1, v0  }
0x5b: {  	v1 =	vld [tilespmem:s10+$0x1C0]  }
0x5c: {  	v0 =	vadd.f32 v2, v0;
	_ =	sdelay $0x1  }
0x5d: {  	v0 =	vadd.f32 v3, v0;
	_ =	sdelay $0x1  }
0x5e: {  	v0 =	vadd.f32 v1, v0;
	_ =	sdelay $0x1  }
0x5f: {  	[tilespmem:s11+$0x10040] =	vst v0  }
0x60: {  	v0 =	vld [tilespmem:s10+$0xFFFFFE50]  }
0x61: {  	v1 =	vld [tilespmem:s10+$0xFFFFFED0];
	_ =	sdelay $0x1  }
0x62: {  	v2 =	vld [tilespmem:s10+$0xFFFFFF50];
	_ =	sdelay $0x1  }
0x63: {  	v3 =	vld [tilespmem:s10+$0xFFFFFFD0]  }
0x64: {  	v0 =	vadd.f32 v1, v0  }
0x65: {  	v1 =	vld [tilespmem:s10+$0x50]  }
0x66: {  	v0 =	vadd.f32 v2, v0  }
0x67: {  	v2 =	vld [tilespmem:s10+$0xD0]  }
0x68: {  	v0 =	vadd.f32 v3, v0  }
0x69: {  	v3 =	vld [tilespmem:s10+$0x150]  }
0x6a: {  	v0 =	vadd.f32 v1, v0  }
0x6b: {  	v1 =	vld [tilespmem:s10+$0x1D0]  }
0x6c: {  	v0 =	vadd.f32 v2, v0;
	_ =	sdelay $0x1  }
0x6d: {  	v0 =	vadd.f32 v3, v0;
	_ =	sdelay $0x1  }
0x6e: {  	v0 =	vadd.f32 v1, v0;
	_ =	sdelay $0x1  }
0x6f: {  	[tilespmem:s11+$0x10050] =	vst v0  }
0x70: {  	v0 =	vld [tilespmem:s10+$0xFFFFFE60]  }
0x71: {  	v1 =	vld [tilespmem:s10+$0xFFFFFEE0];
	_ =	sdelay $0x1  }
0x72: {  	v2 =	vld [tilespmem:s10+$0xFFFFFF60];
	_ =	sdelay $0x1  }
0x73: {  	v3 =	vld [tilespmem:s10+$0xFFFFFFE0]  }
0x74: {  	v0 =	vadd.f32 v1, v0  }
0x75: {  	v1 =	vld [tilespmem:s10+$0x60]  }
0x76: {  	v0 =	vadd.f32 v2, v0  }
0x77: {  	v2 =	vld [tilespmem:s10+$0xE0]  }
0x78: {  	v0 =	vadd.f32 v3, v0  }
0x79: {  	v3 =	vld [tilespmem:s10+$0x160]  }
0x7a: {  	v0 =	vadd.f32 v1, v0  }
0x7b: {  	v1 =	vld [tilespmem:s10+$0x1E0]  }
0x7c: {  	v0 =	vadd.f32 v2, v0;
	_ =	sdelay $0x1  }
0x7d: {  	v0 =	vadd.f32 v3, v0;
	_ =	sdelay $0x1  }
0x7e: {  	v0 =	vadd.f32 v1, v0;
	_ =	sdelay $0x1  }
0x7f: {  	[tilespmem:s11+$0x10060] =	vst v0  }
0x80: {  	v0 =	vld [tilespmem:s10+$0xFFFFFE70]  }
0x81: {  	v1 =	vld [tilespmem:s10+$0xFFFFFEF0];
	_ =	sdelay $0x1  }
0x82: {  	v2 =	vld [tilespmem:s10+$0xFFFFFF70];
	_ =	sdelay $0x1  }
0x83: {  	v4 =	vld [tilespmem:s10+$0xFFFFFFF0]  }
0x84: {  	v1 =	vadd.f32 v1, v0  }
0x85: {  	v3 =	vld [tilespmem:s10+$0x70]  }
0x86: {  	v0 =	vld [tilespmem:s10+$0xF0];
	v5 =	vadd.f32 v2, v1  }
0x87: {  	v1 =	vld [tilespmem:s10+$0x170]  }
0x88: {  	s12 =	simm.s32 $0x200;
	v2 =	vld [tilespmem:s10+$0x1F0];
	v4 =	vadd.f32 v4, v5  }
.LBB2_2:
0x89: {  	p0 =	sne.s32 s12, $0x3E00  }
0x8a: {  	s10 =	sadd.s32 $0x400, s10;
	s13 =	smov.u32 s12;
	s12 =	sadd.s32 $0x200, s12;
	v3 =	vadd.f32 v3, v4  }
0x8b: {  	_ = 	snop  }
0x8c: {  	v0 =	vadd.f32 v0, v3;
	_ =	sdelay $0x1  }
0x8d: {  	v0 =	vadd.f32 v1, v0;
	_ =	sdelay $0x1  }
0x8e: {  	v0 =	vadd.f32 v2, v0;
	_ =	sdelay $0x1  }
0x8f: {  	[tilespmem:s11+$0x10070] =	vst v0  }
0x90: {  	v0 =	vld [tilespmem:s10+$0xFFFFFE80]  }
0x91: {  	v1 =	vld [tilespmem:s10+$0xFFFFFE00]  }
0x92: {  	v2 =	vld [tilespmem:s10+$0xFFFFFF00];
	_ =	sdelay $0x2  }
0x93: {  	v3 =	vld [tilespmem:s10+$0xFFFFFF80]  }
0x94: {  	v0 =	vadd.f32 v0, v1  }
0x95: {  	v1 =	vld [tilespmem:s10+$0x0]  }
0x96: {  	v0 =	vadd.f32 v2, v0  }
0x97: {  	v2 =	vld [tilespmem:s10+$0x80]  }
0x98: {  	v0 =	vadd.f32 v3, v0  }
0x99: {  	v3 =	vld [tilespmem:s10+$0x100]  }
0x9a: {  	v0 =	vadd.f32 v1, v0  }
0x9b: {  	v1 =	vld [tilespmem:s10+$0x180]  }
0x9c: {  	v0 =	vadd.f32 v2, v0;
	_ =	sdelay $0x1  }
0x9d: {  	v0 =	vadd.f32 v3, v0;
	_ =	sdelay $0x1  }
0x9e: {  	v0 =	vadd.f32 v1, v0  }
0x9f: {  	s11 =	sshra.s32 s13, $0x2  }
0xa0: {  	[tilespmem:s11+$0x10000] =	vst v0  }
0xa1: {  	v0 =	vld [tilespmem:s10+$0xFFFFFE10]  }
0xa2: {  	v1 =	vld [tilespmem:s10+$0xFFFFFE90];
	_ =	sdelay $0x1  }
0xa3: {  	v2 =	vld [tilespmem:s10+$0xFFFFFF10];
	_ =	sdelay $0x1  }
0xa4: {  	v3 =	vld [tilespmem:s10+$0xFFFFFF90]  }
0xa5: {  	v0 =	vadd.f32 v1, v0  }
0xa6: {  	v1 =	vld [tilespmem:s10+$0x10]  }
0xa7: {  	v0 =	vadd.f32 v2, v0  }
0xa8: {  	v2 =	vld [tilespmem:s10+$0x90]  }
0xa9: {  	v0 =	vadd.f32 v3, v0  }
0xaa: {  	v3 =	vld [tilespmem:s10+$0x110]  }
0xab: {  	v0 =	vadd.f32 v1, v0  }
0xac: {  	v1 =	vld [tilespmem:s10+$0x190]  }
0xad: {  	v0 =	vadd.f32 v2, v0;
	_ =	sdelay $0x1  }
0xae: {  	v0 =	vadd.f32 v3, v0;
	_ =	sdelay $0x1  }
0xaf: {  	v0 =	vadd.f32 v1, v0;
	_ =	sdelay $0x1  }
0xb0: {  	[tilespmem:s11+$0x10010] =	vst v0  }
0xb1: {  	v0 =	vld [tilespmem:s10+$0xFFFFFE20]  }
0xb2: {  	v1 =	vld [tilespmem:s10+$0xFFFFFEA0];
	_ =	sdelay $0x1  }
0xb3: {  	v2 =	vld [tilespmem:s10+$0xFFFFFF20];
	_ =	sdelay $0x1  }
0xb4: {  	v3 =	vld [tilespmem:s10+$0xFFFFFFA0]  }
0xb5: {  	v0 =	vadd.f32 v1, v0  }
0xb6: {  	v1 =	vld [tilespmem:s10+$0x20]  }
0xb7: {  	v0 =	vadd.f32 v2, v0  }
0xb8: {  	v2 =	vld [tilespmem:s10+$0xA0]  }
0xb9: {  	v0 =	vadd.f32 v3, v0  }
0xba: {  	v3 =	vld [tilespmem:s10+$0x120]  }
0xbb: {  	v0 =	vadd.f32 v1, v0  }
0xbc: {  	v1 =	vld [tilespmem:s10+$0x1A0]  }
0xbd: {  	v0 =	vadd.f32 v2, v0;
	_ =	sdelay $0x1  }
0xbe: {  	v0 =	vadd.f32 v3, v0;
	_ =	sdelay $0x1  }
0xbf: {  	v0 =	vadd.f32 v1, v0;
	_ =	sdelay $0x1  }
0xc0: {  	[tilespmem:s11+$0x10020] =	vst v0  }
0xc1: {  	v0 =	vld [tilespmem:s10+$0xFFFFFE30]  }
0xc2: {  	v1 =	vld [tilespmem:s10+$0xFFFFFEB0];
	_ =	sdelay $0x1  }
0xc3: {  	v2 =	vld [tilespmem:s10+$0xFFFFFF30];
	_ =	sdelay $0x1  }
0xc4: {  	v3 =	vld [tilespmem:s10+$0xFFFFFFB0]  }
0xc5: {  	v0 =	vadd.f32 v1, v0  }
0xc6: {  	v1 =	vld [tilespmem:s10+$0x30]  }
0xc7: {  	v0 =	vadd.f32 v2, v0  }
0xc8: {  	v2 =	vld [tilespmem:s10+$0xB0]  }
0xc9: {  	v0 =	vadd.f32 v3, v0  }
0xca: {  	v3 =	vld [tilespmem:s10+$0x130]  }
0xcb: {  	v0 =	vadd.f32 v1, v0  }
0xcc: {  	v1 =	vld [tilespmem:s10+$0x1B0]  }
0xcd: {  	v0 =	vadd.f32 v2, v0;
	_ =	sdelay $0x1  }
0xce: {  	v0 =	vadd.f32 v3, v0;
	_ =	sdelay $0x1  }
0xcf: {  	v0 =	vadd.f32 v1, v0;
	_ =	sdelay $0x1  }
0xd0: {  	[tilespmem:s11+$0x10030] =	vst v0  }
0xd1: {  	v0 =	vld [tilespmem:s10+$0xFFFFFE40]  }
0xd2: {  	v1 =	vld [tilespmem:s10+$0xFFFFFEC0];
	_ =	sdelay $0x1  }
0xd3: {  	v2 =	vld [tilespmem:s10+$0xFFFFFF40];
	_ =	sdelay $0x1  }
0xd4: {  	v3 =	vld [tilespmem:s10+$0xFFFFFFC0]  }
0xd5: {  	v0 =	vadd.f32 v1, v0  }
0xd6: {  	v1 =	vld [tilespmem:s10+$0x40]  }
0xd7: {  	v0 =	vadd.f32 v2, v0  }
0xd8: {  	v2 =	vld [tilespmem:s10+$0xC0]  }
0xd9: {  	v0 =	vadd.f32 v3, v0  }
0xda: {  	v3 =	vld [tilespmem:s10+$0x140]  }
0xdb: {  	v0 =	vadd.f32 v1, v0  }
0xdc: {  	v1 =	vld [tilespmem:s10+$0x1C0]  }
0xdd: {  	v0 =	vadd.f32 v2, v0;
	_ =	sdelay $0x1  }
0xde: {  	v0 =	vadd.f32 v3, v0;
	_ =	sdelay $0x1  }
0xdf: {  	v0 =	vadd.f32 v1, v0;
	_ =	sdelay $0x1  }
0xe0: {  	[tilespmem:s11+$0x10040] =	vst v0  }
0xe1: {  	v0 =	vld [tilespmem:s10+$0xFFFFFE50]  }
0xe2: {  	v1 =	vld [tilespmem:s10+$0xFFFFFED0]  }
0xe3: {  	v2 =	vld [tilespmem:s10+$0xFFFFFF50]  }
0xe4: {  	v3 =	vld [tilespmem:s10+$0xFFFFFFD0]  }
0xe5: {  	v4 =	vld [tilespmem:s10+$0x50]  }
0xe6: {  	v5 =	vld [tilespmem:s10+$0xD0]  }
0xe7: {  	v0 =	vadd.f32 v1, v0;
	v1 =	vld [tilespmem:s10+$0x150]  }
0xe8: {  	v6 =	vld [tilespmem:s10+$0x1D0]  }
0xe9: {  	v0 =	vadd.f32 v2, v0;
	_ =	sdelay $0x1  }
0xea: {  	v0 =	vadd.f32 v3, v0;
	_ =	sdelay $0x1  }
0xeb: {  	v0 =	vadd.f32 v4, v0;
	_ =	sdelay $0x1  }
0xec: {  	v0 =	vadd.f32 v5, v0;
	_ =	sdelay $0x1  }
0xed: {  	v0 =	vadd.f32 v1, v0;
	_ =	sdelay $0x1  }
0xee: {  	v0 =	vadd.f32 v6, v0;
	_ =	sdelay $0x1  }
0xef: {  	[tilespmem:s11+$0x10050] =	vst v0  }
0xf0: {  	v0 =	vld [tilespmem:s10+$0xFFFFFE60]  }
0xf1: {  	v1 =	vld [tilespmem:s10+$0xFFFFFEE0]  }
0xf2: {  	v2 =	vld [tilespmem:s10+$0xFFFFFF60]  }
0xf3: {  	v3 =	vld [tilespmem:s10+$0xFFFFFFE0]  }
0xf4: {  	v4 =	vld [tilespmem:s10+$0x60]  }
0xf5: {  	v5 =	vld [tilespmem:s10+$0xE0]  }
0xf6: {  	v0 =	vadd.f32 v1, v0;
	v1 =	vld [tilespmem:s10+$0x160]  }
0xf7: {  	v6 =	vld [tilespmem:s10+$0x1E0]  }
0xf8: {  	v0 =	vadd.f32 v2, v0;
	_ =	sdelay $0x1  }
0xf9: {  	v0 =	vadd.f32 v3, v0;
	_ =	sdelay $0x1  }
0xfa: {  	v0 =	vadd.f32 v4, v0;
	_ =	sdelay $0x1  }
0xfb: {  	v0 =	vadd.f32 v5, v0;
	_ =	sdelay $0x1  }
0xfc: {  	v0 =	vadd.f32 v1, v0;
	_ =	sdelay $0x1  }
0xfd: {  	v0 =	vadd.f32 v6, v0;
	_ =	sdelay $0x1  }
0xfe: {  	[tilespmem:s11+$0x10060] =	vst v0  }
0xff: {  	v1 =	vld [tilespmem:s10+$0xFFFFFE70]  }
0x100: {  	v2 =	vld [tilespmem:s10+$0xFFFFFEF0]  }
0x101: {  	v4 =	vld [tilespmem:s10+$0xFFFFFF70]  }
0x102: {  	v5 =	vld [tilespmem:s10+$0xFFFFFFF0]  }
0x103: {  	v3 =	vld [tilespmem:s10+$0x70]  }
0x104: {  	v0 =	vld [tilespmem:s10+$0xF0]  }
.Ltmp0:
0x105: {  	v6 =	vadd.f32 v2, v1;
	v1 =	vld [tilespmem:s10+$0x170];
	(pc) =	sbr.rel @p0 .LBB2_2-.Ltmp0, $3  }
0x106: {  	v2 =	vld [tilespmem:s10+$0x1F0]  }
0x107: {  	v4 =	vadd.f32 v4, v6;
	_ =	sdelay $0x1  }
0x108: {  	v4 =	vadd.f32 v5, v4  }
0x109: {  	_ = 	snop  }
0x10a: {  	v3 =	vadd.f32 v3, v4;
	_ =	sdelay $0x1  }
0x10b: {  	v0 =	vadd.f32 v0, v3;
	_ =	sdelay $0x1  }
0x10c: {  	v0 =	vadd.f32 v1, v0;
	_ =	sdelay $0x1  }
0x10d: {  	s9 =	sadd.s32 $0x1, s9;
	v0 =	vadd.f32 v2, v0  }
0x10e: {  	p0 =	sne.s32 s9, s5  }
.Ltmp1:
0x10f: {  	[tilespmem:s11+$0x10070] =	vst v0;
	(pc) =	sbr.rel @p0 .LBB2_1-.Ltmp1, $4  }
0x110: {  	[hbm4b:s4+s2] =	stream.linear.scatter [tilespmem:s7], [sflag:$0x2], $0x1000, $0x38;
	[tilespmem:$0x12000] =	vst v63  }
0x111: {  	_ =	swait.ge [sflag:s8], $0x1000  }
0x112: {  	[sflag:s8] =	ssyncset.done $0x0  }
0x113: {  	[sflag:s8] =	ssyncadd.s32 $0xFFFFF000  }
0x114: {  	_ =	sfence.sel $0x180000  }
0x115: {  	[bflag:$0x0] =	sbarrier.arrive $0xFFFF  }
0x116: {  	p0 =	sne.s32 s1, $0x0;
	_ =	strace $0x90000047  }
0x117: {  	s0 =	sadd.s32 @!p0 $0x100000, s0;
	[bflag:$0x2] =	sbarrier.arrive $0xFFFF  }
0x118: {  	[sflag:s0] =	ssyncadd.tile.s32 @!p0 $0x1;
	_ =	shalt  }
.Lfunc_end2:
_tile_overlayer_lowered:
.L_overlay_start_2:
0x119: {  	(tag) =	ssettag $0x2  }
0x11a: {  	s0 =	rddreg [dreg:$0x0];
	s2 =	stileid.u32  }
0x11b: {  	s1 =	rddreg [dreg:$0x1];
	p0 =	sne.s32 s2, $0x0  }
0x11c: {  	s3 =	rddreg [dreg:$0x2];
	[bflag:$0x3] =	sbarrier.arrive $0xFFFF;
	s2 =	simm.s32 @!p0 $0x1C03  }
0x11d: {  	[timem:s3], [sflag:s2] =	dma.local @!p0 [hbm:s0], s1  }
0x11e: {  	s0 =	simm.s32 @!p0 $0x3  }
0x11f: {  	_ =	swait.ge @!p0 [sflag:s0], s1  }
0x120: {  	s1 =	ssub.s32 @!p0 $0x0, s1;
	[sflag:s0] =	ssyncset.done @!p0 $0x0  }
0x121: {  	[sflag:s0] =	ssyncadd.s32 @!p0 s1  }
0x122: {  	[bflag:$0x3] =	sbarrier.arrive $0xFFFF  }
0x123: {  	_ =	shalt  }

</sc_bundles>
